<compile_context>
chip_gen: v7x
topology: tpu7x:2x2x1
jax: 0.10.2.dev20260603
libtpu: 0.0.44.dev20260713+nightly
codegen_flags: <defaults>
</compile_context>

<pallas_src>
import functools

import jax
import jax.numpy as jnp
from jax import lax
from jax.experimental import pallas as pl
from jax.experimental.pallas import tpu as pltpu
from jax.experimental.pallas import tpu_sc as plsc

NC = 2
NS = 16
NW = NC * NS
CHUNK = 128
LANES = 16


@functools.lru_cache(maxsize=None)
def _build_fuse(n, d, blk):
    def body(ne_ref, va_ref, ua_ref, t1_ref, t2_ref):
        x = ne_ref[...]
        t1_ref[...] = x + va_ref[...]
        t2_ref[...] = x + ua_ref[...]

    spec = pl.BlockSpec((blk, d), lambda i: (i, 0))
    return pl.pallas_call(
        body,
        grid=(n // blk,),
        in_specs=[spec, spec, spec],
        out_specs=[spec, spec],
        out_shape=[jax.ShapeDtypeStruct((n, d), jnp.float32)] * 2,
    )


@functools.lru_cache(maxsize=None)
def _build_sc_stage(n, d, p, bp):
    nchunk = bp // CHUNK
    npass = -(-nchunk // NW)
    pc = p * CHUNK
    ng = CHUNK // LANES

    def body(nodes_hbm, l1f_hbm, l2f_hbm, ne_hbm,
             self_hbm, c1_hbm, c2_hbm,
             nv, idx1, col1, col2, selfb, sem_i, sem_s):
        _c = lax.axis_index("c")
        _s = lax.axis_index("s")
        wid = lax.rem(_s + _c, 2) * NS + _s

        def pass_body(it, carry):
            c = it * NW + wid

            @pl.when(c < nchunk)
            def _():
                base = c * CHUNK
                pltpu.sync_copy(nodes_hbm.at[pl.ds(base, CHUNK)], nv)
                cps = pltpu.async_copy(ne_hbm.at[nv], selfb, sem_s)

                def build(j, c2):
                    def vec(g, c3):
                        v = nv[pl.ds(g * LANES, LANES)]
                        idx1[pl.ds(j * CHUNK + g * LANES, LANES)] = v + j * n
                        return c3

                    lax.fori_loop(0, ng, vec, 0)
                    sl = pl.ds(j * CHUNK, CHUNK)
                    pltpu.async_copy(l1f_hbm.at[idx1.at[sl]], col1.at[sl], sem_i)
                    pltpu.async_copy(l2f_hbm.at[idx1.at[sl]], col2.at[sl], sem_i)
                    return c2

                lax.fori_loop(0, p, build, 0)

                def drain_i(j, c2):
                    sl = pl.ds(0, CHUNK)
                    pltpu.make_async_copy(
                        l1f_hbm.at[idx1.at[sl]], col1.at[sl], sem_i).wait()
                    pltpu.make_async_copy(
                        l2f_hbm.at[idx1.at[sl]], col2.at[sl], sem_i).wait()
                    return c2

                lax.fori_loop(0, p, drain_i, 0)
                pltpu.sync_copy(col1, c1_hbm.at[pl.ds(c * pc, pc)])
                pltpu.sync_copy(col2, c2_hbm.at[pl.ds(c * pc, pc)])
                cps.wait()
                pltpu.sync_copy(selfb, self_hbm.at[pl.ds(base, CHUNK)])

            return carry

        lax.fori_loop(0, npass, pass_body, 0)

    mesh = plsc.VectorSubcoreMesh(
        core_axis_name="c", subcore_axis_name="s", num_cores=NC, num_subcores=NS)
    return pl.kernel(
        body,
        out_type=(jax.ShapeDtypeStruct((bp, d), jnp.float32),
                  jax.ShapeDtypeStruct((nchunk * pc,), jnp.int32),
                  jax.ShapeDtypeStruct((nchunk * pc,), jnp.int32)),
        mesh=mesh,
        scratch_types=[
            pltpu.VMEM((CHUNK,), jnp.int32),
            pltpu.VMEM((pc,), jnp.int32),
            pltpu.VMEM((pc,), jnp.int32),
            pltpu.VMEM((pc,), jnp.int32),
            pltpu.VMEM((CHUNK, d), jnp.float32),
            pltpu.SemaphoreType.DMA,
            pltpu.SemaphoreType.DMA,
        ],
    )


@functools.lru_cache(maxsize=None)
def _build_sc_add(n, d, p, bp):
    nchunk = bp // CHUNK
    npass = -(-nchunk // NW)
    pc = p * CHUNK

    def body(c1_hbm, c2_hbm, t1_hbm, t2_hbm,
             s1_hbm, s2_hbm,
             col1, col2, acc1, acc2, sem_i, sem_a, sem_b):
        _c = lax.axis_index("c")
        _s = lax.axis_index("s")
        wid = lax.rem(_s + _c, 2) * NS + _s

        @pl.when(wid < nchunk)
        def _():
            pltpu.async_copy(c1_hbm.at[pl.ds(wid * pc, pc)],
                             col1.at[pl.ds(0, pc)], sem_i)
            pltpu.async_copy(c2_hbm.at[pl.ds(wid * pc, pc)],
                             col2.at[pl.ds(0, pc)], sem_i)

        def pass_body(it, carry):
            c = it * NW + wid
            off = lax.rem(it, 2) * pc

            @pl.when(c < nchunk)
            def _():
                base = c * CHUNK
                sl0 = pl.ds(0, pc)
                pltpu.make_async_copy(
                    c1_hbm.at[sl0], col1.at[sl0], sem_i).wait()
                pltpu.make_async_copy(
                    c2_hbm.at[sl0], col2.at[sl0], sem_i).wait()

                j0a = pltpu.async_copy(
                    t1_hbm.at[col1.at[pl.ds(off, CHUNK)]], acc1, sem_a)
                j0b = pltpu.async_copy(
                    t2_hbm.at[col2.at[pl.ds(off, CHUNK)]], acc2, sem_b)
                j0a.wait()
                j0b.wait()

                def fire(j, c2):
                    sl = pl.ds(off + j * CHUNK, CHUNK)
                    pltpu.async_copy(t1_hbm.at[col1.at[sl]], acc1, sem_a,
                                     add=True)
                    pltpu.async_copy(t2_hbm.at[col2.at[sl]], acc2, sem_b,
                                     add=True)
                    return c2

                lax.fori_loop(1, p, fire, 0)

                nc_ = (it + 1) * NW + wid

                @pl.when(nc_ < nchunk)
                def _():
                    noff = pc - off
                    pltpu.async_copy(c1_hbm.at[pl.ds(nc_ * pc, pc)],
                                     col1.at[pl.ds(noff, pc)], sem_i)
                    pltpu.async_copy(c2_hbm.at[pl.ds(nc_ * pc, pc)],
                                     col2.at[pl.ds(noff, pc)], sem_i)

                def drain_a(j, c2):
                    sl = pl.ds(0, CHUNK)
                    pltpu.make_async_copy(
                        t1_hbm.at[col1.at[sl]], acc1, sem_a).wait()
                    pltpu.make_async_copy(
                        t2_hbm.at[col2.at[sl]], acc2, sem_b).wait()
                    return c2

                lax.fori_loop(1, p, drain_a, 0)

                pltpu.sync_copy(acc1, s1_hbm.at[pl.ds(base, CHUNK)])
                pltpu.sync_copy(acc2, s2_hbm.at[pl.ds(base, CHUNK)])

            return carry

        lax.fori_loop(0, npass, pass_body, 0)

    mesh = plsc.VectorSubcoreMesh(
        core_axis_name="c", subcore_axis_name="s", num_cores=NC, num_subcores=NS)
    return pl.kernel(
        body,
        out_type=(jax.ShapeDtypeStruct((bp, d), jnp.float32),
                  jax.ShapeDtypeStruct((bp, d), jnp.float32)),
        mesh=mesh,
        scratch_types=[
            pltpu.VMEM((2 * pc,), jnp.int32),
            pltpu.VMEM((2 * pc,), jnp.int32),
            pltpu.VMEM((CHUNK, d), jnp.float32),
            pltpu.VMEM((CHUNK, d), jnp.float32),
            pltpu.SemaphoreType.DMA,
            pltpu.SemaphoreType.DMA,
            pltpu.SemaphoreType.DMA,
        ],
    )


@functools.lru_cache(maxsize=None)
def _build_combine(b, bp, d, p, blk):
    inv_p = 1.0 / p

    def body(sf_ref, s1_ref, s2_ref, aw_ref, bw_ref, gt_ref, gb_ref,
             ab_ref, bb_ref, out_ref):
        sf = sf_ref[...]
        l1 = s1_ref[...] * inv_p
        l2 = s2_ref[...] * inv_p
        aw = aw_ref[...]
        bw = bw_ref[...]
        alpha = (jnp.sum(sf * aw[:, :d], axis=1, keepdims=True)
                 + jnp.sum(l1 * aw[:, d:], axis=1, keepdims=True) + ab_ref[0])
        beta = (jnp.sum(sf * bw[:, :d], axis=1, keepdims=True)
                + jnp.sum(l2 * bw[:, d:], axis=1, keepdims=True) + bb_ref[0])
        comb = sf + alpha * l1 + beta * l2
        out_ref[...] = (jnp.dot(comb, gt_ref[...],
                                preferred_element_type=jnp.float32)
                        + gb_ref[...])

    row = pl.BlockSpec((blk, d), lambda i: (i, 0))
    return pl.pallas_call(
        body,
        grid=(b // blk,),
        in_specs=[
            row, row, row,
            pl.BlockSpec((1, 2 * d), lambda i: (0, 0)),
            pl.BlockSpec((1, 2 * d), lambda i: (0, 0)),
            pl.BlockSpec((d, d), lambda i: (0, 0)),
            pl.BlockSpec((1, d), lambda i: (0, 0)),
            pl.BlockSpec(memory_space=pltpu.SMEM),
            pl.BlockSpec(memory_space=pltpu.SMEM),
        ],
        out_specs=row,
        out_shape=jax.ShapeDtypeStruct((b, d), jnp.float32),
    )


def kernel(nodes, node2e_weight, l1paths, l2paths, va, ua,
           alpha_w, alpha_b, beta_w, beta_b, gamma_w, gamma_b):
    n, d = node2e_weight.shape
    b = nodes.shape[0]
    p = l1paths.shape[1]
    bp = -(-b // CHUNK) * CHUNK

    t1, t2 = _build_fuse(n, d, 2000)(node2e_weight, va, ua)

    nodes_p = jnp.zeros((bp,), jnp.int32).at[:b].set(nodes.astype(jnp.int32))
    l1f = l1paths[:, :, 1].astype(jnp.int32).T.reshape(-1)
    l2f = l2paths[:, :, 2].astype(jnp.int32).T.reshape(-1)

    selfb, c1, c2 = _build_sc_stage(n, d, p, bp)(
        nodes_p, l1f, l2f, node2e_weight)
    s1, s2 = _build_sc_add(n, d, p, bp)(c1, c2, t1, t2)

    return _build_combine(b, bp, d, p, 2000)(
        selfb, s1, s2, alpha_w, beta_w, gamma_w.T, gamma_b.reshape(1, d),
        alpha_b, beta_b)

# --- scband reference (transcript-rebuilt; emitter-appended) ---
"""Pipeline reference for scband-encoder-20375324852398 (READ-ONLY COPY).

The authoritative reference and input builder live on the scoring server;
editing this copy changes nothing except your own understanding.
"""

import jax, jax.numpy as jnp
import numpy as np

N = 50000   # number of nodes
D = 128     # embed_dim
P1 = 16     # level-1 paths per node
P2 = 16     # level-2 paths per node
B = 10000   # batch of seed nodes


def prelu(x, a=1.0):
    # F.prelu(x, torch.tensor(1.).float()) with weight a
    return jnp.where(x >= 0, x, a * x)


def setup_inputs(seed: int = 0) -> dict:
    key = jax.random.key(seed)
    ks = jax.random.split(key, 12)
    return {
        "nodes": jax.random.randint(ks[0], (B,), 0, N),
        "node2e_weight": jax.random.normal(ks[1], (N, D), jnp.float32) * 0.1,
        "l1paths": jax.random.randint(ks[2], (N, P1, 2), 0, N),
        "l2paths": jax.random.randint(ks[3], (N, P2, 3), 0, N),
        "va": jax.random.normal(ks[4], (N, D), jnp.float32) * 0.1,
        "ua": jax.random.normal(ks[5], (N, D), jnp.float32) * 0.1,
        "alpha_w": jax.random.normal(ks[6], (1, 2 * D), jnp.float32) / np.sqrt(2 * D),
        "alpha_b": jnp.zeros((1,), jnp.float32),
        "beta_w": jax.random.normal(ks[7], (1, 2 * D), jnp.float32) / np.sqrt(2 * D),
        "beta_b": jnp.zeros((1,), jnp.float32),
        "gamma_w": jax.random.normal(ks[8], (D, D), jnp.float32) / np.sqrt(D),
        "gamma_b": jnp.zeros((D,), jnp.float32),
    }


def reference(nodes, node2e_weight, l1paths, l2paths, va, ua,
              alpha_w, alpha_b, beta_w, beta_b, gamma_w, gamma_b):
    # --- gather per-node path tables (the python loop over nodes, vectorized) ---
    # l1paths_list[node][:, 1] -> level-1 neighbor ids; attrs from va (uv=True)
    l1n = jnp.take(l1paths, nodes, axis=0)[:, :, 1]          # [B, P1]
    # l2paths_list[node][:, 2] -> level-2 neighbor ids; attrs from ua (uv=True)
    l2n = jnp.take(l2paths, nodes, axis=0)[:, :, 2]          # [B, P2]

    # --- aggregators (mean-pool of neighbor embedding + neighbor attr feats) ---
    l1neighs_feats = jnp.mean(jnp.take(node2e_weight, l1n, axis=0)
                              + jnp.take(va, l1n, axis=0), axis=1)   # [B, D]
    l2neighs_feats = jnp.mean(jnp.take(node2e_weight, l2n, axis=0)
                              + jnp.take(ua, l2n, axis=0), axis=1)   # [B, D]

    # --- encoder combine, faithful to torch forward ---
    self_feats = jnp.take(node2e_weight, nodes, axis=0)              # [B, D]
    alphaa = prelu(jnp.concatenate([self_feats, l1neighs_feats], axis=1) @ alpha_w.T + alpha_b)
    betaa = prelu(jnp.concatenate([self_feats, l2neighs_feats], axis=1) @ beta_w.T + beta_b)
    l1 = alphaa * l1neighs_feats
    l2 = betaa * l2neighs_feats
    combined = self_feats + l1 + l2
    combined = prelu(combined @ gamma_w.T + gamma_b)
    return combined

if __name__ == "__main__":
    import jax
    _d = setup_inputs()
    print(jax.jit(kernel)(*tuple(_d.values())))

</pallas_src>

<mosaic_0001>
#map = affine_map<(d0, d1) -> (0)>
#map1 = affine_map<(d0, d1) -> (0, 0)>
module attributes {stable_mosaic.version = 14 : i64} {
  func.func @body(%arg0: i32, %arg1: i32, %arg2: memref<161792xi32, #tpu.memory_space<hbm>>, %arg3: memref<161792xi32, #tpu.memory_space<hbm>>, %arg4: memref<50000x128xf32, #tpu.memory_space<hbm>>, %arg5: memref<50000x128xf32, #tpu.memory_space<hbm>>, %arg6: memref<10112x128xf32, #tpu.memory_space<hbm>>, %arg7: memref<10112x128xf32, #tpu.memory_space<hbm>>, %arg8: memref<4096xi32, #tpu.memory_space<vmem>>, %arg9: memref<4096xi32, #tpu.memory_space<vmem>>, %arg10: memref<128x128xf32, #tpu.memory_space<vmem>>, %arg11: memref<128x128xf32, #tpu.memory_space<vmem>>, %arg12: memref<!tpu.dma_semaphore, #tpu.memory_space<semaphore_mem>>, %arg13: memref<!tpu.dma_semaphore, #tpu.memory_space<semaphore_mem>>, %arg14: memref<!tpu.dma_semaphore, #tpu.memory_space<semaphore_mem>>) attributes {dimension_semantics = [#tpu.dimension_semantics<core_parallel>, #tpu.dimension_semantics<subcore_parallel>], iteration_bounds = array<i64: 2, 16>, scalar_prefetch = 0 : i64, scratch_operands = 7 : i64, tpu.core_type = #tpu.core_type<sc_vector_subcore>, window_params = [{transform_indices = #map}, {transform_indices = #map}, {transform_indices = #map1}, {transform_indices = #map1}, {transform_indices = #map1}, {transform_indices = #map1}]} {
    %add3A = arith.addi %arg1, %arg0 : i32
    %rem3A = arith.constant 2 : i32
    %rem3A_0 = arith.remsi %add3A, %rem3A : i32
    %mul3A = arith.constant 16 : i32
    %mul3A_1 = arith.muli %rem3A_0, %mul3A : i32
    %add3A_2 = arith.addi %mul3A_1, %arg1 : i32
    %lt3A = arith.constant 79 : i32
    %lt3A_3 = arith.cmpi slt, %add3A_2, %lt3A : i32
    %convert_element_type3A = arith.extui %lt3A_3 : i1 to i32
    %cond3A = arith.constant 0 : i32
    %cond3A_4 = arith.cmpi ne, %convert_element_type3A, %cond3A : i32
    scf.if %cond3A_4 {
      %mul3A_10 = arith.constant 2048 : i32
      %mul3A_11 = arith.muli %add3A_2, %mul3A_10 : i32
      %dma_start3A = arith.constant 0 : i32
      %dma_start3A_12 = tpu.memref_slice %arg8[%dma_start3A] : memref<4096xi32, #tpu.memory_space<vmem>> -> memref<2048xi32, #tpu.memory_space<vmem>>
      %dma_start3A_13 = tpu.memref_slice %arg2[%mul3A_11] : memref<161792xi32, #tpu.memory_space<hbm>> -> memref<2048xi32, #tpu.memory_space<hbm>>
      %dma_start3A_14 = arith.constant 0 : i32
      %dma_start3A_15 = tpu.memref_slice %arg8[%dma_start3A_14] : memref<4096xi32, #tpu.memory_space<vmem>> -> memref<2048xi32, #tpu.memory_space<vmem>>
      %dma_start3A_16 = tpu.memref_slice %arg2[%mul3A_11] : memref<161792xi32, #tpu.memory_space<hbm>> -> memref<2048xi32, #tpu.memory_space<hbm>>
      tpu.enqueue_dma source(%dma_start3A_16 : memref<2048xi32, #tpu.memory_space<hbm>>) target(%dma_start3A_15 : memref<2048xi32, #tpu.memory_space<vmem>>) target_semaphore(%arg12 : memref<!tpu.dma_semaphore, #tpu.memory_space<semaphore_mem>>)
      %mul3A_17 = arith.constant 2048 : i32
      %mul3A_18 = arith.muli %add3A_2, %mul3A_17 : i32
      %dma_start3A_19 = arith.constant 0 : i32
      %dma_start3A_20 = tpu.memref_slice %arg9[%dma_start3A_19] : memref<4096xi32, #tpu.memory_space<vmem>> -> memref<2048xi32, #tpu.memory_space<vmem>>
      %dma_start3A_21 = tpu.memref_slice %arg3[%mul3A_18] : memref<161792xi32, #tpu.memory_space<hbm>> -> memref<2048xi32, #tpu.memory_space<hbm>>
      %dma_start3A_22 = arith.constant 0 : i32
      %dma_start3A_23 = tpu.memref_slice %arg9[%dma_start3A_22] : memref<4096xi32, #tpu.memory_space<vmem>> -> memref<2048xi32, #tpu.memory_space<vmem>>
      %dma_start3A_24 = tpu.memref_slice %arg3[%mul3A_18] : memref<161792xi32, #tpu.memory_space<hbm>> -> memref<2048xi32, #tpu.memory_space<hbm>>
      tpu.enqueue_dma source(%dma_start3A_24 : memref<2048xi32, #tpu.memory_space<hbm>>) target(%dma_start3A_23 : memref<2048xi32, #tpu.memory_space<vmem>>) target_semaphore(%arg12 : memref<!tpu.dma_semaphore, #tpu.memory_space<semaphore_mem>>)
    } else {
    }
    %scan3A = arith.constant 0 : i32
    %scan3A_5 = arith.constant 0 : i32
    %scan3A_6 = arith.constant 3 : i32
    %scan3A_7 = arith.addi %scan3A_5, %scan3A_6 : i32
    %scan3A_8 = arith.constant 1 : i32
    scf.for %scan3A_10 = %scan3A_5 to %scan3A_7 step %scan3A_8  : i32 {
      %mul3A_11 = arith.constant 32 : i32
      %mul3A_12 = arith.muli %scan3A_10, %mul3A_11 : i32
      %add3A_13 = arith.addi %mul3A_12, %add3A_2 : i32
      %rem3A_14 = arith.constant 2 : i32
      %rem3A_15 = arith.remsi %scan3A_10, %rem3A_14 : i32
      %mul3A_16 = arith.constant 2048 : i32
      %mul3A_17 = arith.muli %rem3A_15, %mul3A_16 : i32
      %lt3A_18 = arith.constant 79 : i32
      %lt3A_19 = arith.cmpi slt, %add3A_13, %lt3A_18 : i32
      %convert_element_type3A_20 = arith.extui %lt3A_19 : i1 to i32
      %cond3A_21 = arith.constant 0 : i32
      %cond3A_22 = arith.cmpi ne, %convert_element_type3A_20, %cond3A_21 : i32
      scf.if %cond3A_22 {
        %mul3A_23 = arith.constant 128 : i32
        %mul3A_24 = arith.muli %add3A_13, %mul3A_23 : i32
        %dma_wait3A = arith.constant 0 : i32
        %dma_wait3A_25 = tpu.memref_slice %arg8[%dma_wait3A] : memref<4096xi32, #tpu.memory_space<vmem>> -> memref<2048xi32, #tpu.memory_space<vmem>>
        %dma_wait3A_26 = arith.constant 0 : i32
        %dma_wait3A_27 = tpu.memref_slice %arg2[%dma_wait3A_26] : memref<161792xi32, #tpu.memory_space<hbm>> -> memref<2048xi32, #tpu.memory_space<hbm>>
        %dma_wait3A_28 = arith.constant 0 : i32
        %dma_wait3A_29 = tpu.memref_slice %arg8[%dma_wait3A_28] : memref<4096xi32, #tpu.memory_space<vmem>> -> memref<2048xi32, #tpu.memory_space<vmem>>
        %dma_wait3A_30 = arith.constant 0 : i32
        %dma_wait3A_31 = tpu.memref_slice %arg2[%dma_wait3A_30] : memref<161792xi32, #tpu.memory_space<hbm>> -> memref<2048xi32, #tpu.memory_space<hbm>>
        tpu.wait_dma2 semaphore(%arg12 : memref<!tpu.dma_semaphore, #tpu.memory_space<semaphore_mem>>) src(%dma_wait3A_31 : memref<2048xi32, #tpu.memory_space<hbm>>) dst(%dma_wait3A_29 : memref<2048xi32, #tpu.memory_space<vmem>>)
        %dma_wait3A_32 = arith.constant 0 : i32
        %dma_wait3A_33 = tpu.memref_slice %arg9[%dma_wait3A_32] : memref<4096xi32, #tpu.memory_space<vmem>> -> memref<2048xi32, #tpu.memory_space<vmem>>
        %dma_wait3A_34 = arith.constant 0 : i32
        %dma_wait3A_35 = tpu.memref_slice %arg3[%dma_wait3A_34] : memref<161792xi32, #tpu.memory_space<hbm>> -> memref<2048xi32, #tpu.memory_space<hbm>>
        %dma_wait3A_36 = arith.constant 0 : i32
        %dma_wait3A_37 = tpu.memref_slice %arg9[%dma_wait3A_36] : memref<4096xi32, #tpu.memory_space<vmem>> -> memref<2048xi32, #tpu.memory_space<vmem>>
        %dma_wait3A_38 = arith.constant 0 : i32
        %dma_wait3A_39 = tpu.memref_slice %arg3[%dma_wait3A_38] : memref<161792xi32, #tpu.memory_space<hbm>> -> memref<2048xi32, #tpu.memory_space<hbm>>
        tpu.wait_dma2 semaphore(%arg12 : memref<!tpu.dma_semaphore, #tpu.memory_space<semaphore_mem>>) src(%dma_wait3A_39 : memref<2048xi32, #tpu.memory_space<hbm>>) dst(%dma_wait3A_37 : memref<2048xi32, #tpu.memory_space<vmem>>)
        %dma_start3A = tpu.memref_slice %arg8[%mul3A_17] : memref<4096xi32, #tpu.memory_space<vmem>> -> memref<128xi32, #tpu.memory_space<vmem>>
        %dma_start3A_40 = arith.constant 0 : i32
        %dma_start3A_41 = arith.constant 0 : i32
        %dma_start3A_42 = tpu.memref_slice %arg4[%dma_start3A_40, %dma_start3A_41] : memref<50000x128xf32, #tpu.memory_space<hbm>> -> memref<50000x128xf32, #tpu.memory_space<hbm>>
        tpu.enqueue_indirect_dma source(%dma_start3A_42 : memref<50000x128xf32, #tpu.memory_space<hbm>>) target(%arg10 : memref<128x128xf32, #tpu.memory_space<vmem>>) offsets(%dma_start3A : memref<128xi32, #tpu.memory_space<vmem>>) semaphore(%arg13 : memref<!tpu.dma_semaphore, #tpu.memory_space<semaphore_mem>>)
        %dma_start3A_43 = tpu.memref_slice %arg9[%mul3A_17] : memref<4096xi32, #tpu.memory_space<vmem>> -> memref<128xi32, #tpu.memory_space<vmem>>
        %dma_start3A_44 = arith.constant 0 : i32
        %dma_start3A_45 = arith.constant 0 : i32
        %dma_start3A_46 = tpu.memref_slice %arg5[%dma_start3A_44, %dma_start3A_45] : memref<50000x128xf32, #tpu.memory_space<hbm>> -> memref<50000x128xf32, #tpu.memory_space<hbm>>
        tpu.enqueue_indirect_dma source(%dma_start3A_46 : memref<50000x128xf32, #tpu.memory_space<hbm>>) target(%arg11 : memref<128x128xf32, #tpu.memory_space<vmem>>) offsets(%dma_start3A_43 : memref<128xi32, #tpu.memory_space<vmem>>) semaphore(%arg14 : memref<!tpu.dma_semaphore, #tpu.memory_space<semaphore_mem>>)
        %dma_wait3A_47 = tpu.memref_slice %arg8[%mul3A_17] : memref<4096xi32, #tpu.memory_space<vmem>> -> memref<128xi32, #tpu.memory_space<vmem>>
        %dma_wait3A_48 = arith.constant 0 : i32
        %dma_wait3A_49 = arith.constant 0 : i32
        %dma_wait3A_50 = tpu.memref_slice %arg4[%dma_wait3A_48, %dma_wait3A_49] : memref<50000x128xf32, #tpu.memory_space<hbm>> -> memref<50000x128xf32, #tpu.memory_space<hbm>>
        tpu.wait_indirect_dma semaphore(%arg13 : memref<!tpu.dma_semaphore, #tpu.memory_space<semaphore_mem>>) src(%dma_wait3A_50 : memref<50000x128xf32, #tpu.memory_space<hbm>>) dst(%arg10 : memref<128x128xf32, #tpu.memory_space<vmem>>)
        %dma_wait3A_51 = tpu.memref_slice %arg9[%mul3A_17] : memref<4096xi32, #tpu.memory_space<vmem>> -> memref<128xi32, #tpu.memory_space<vmem>>
        %dma_wait3A_52 = arith.constant 0 : i32
        %dma_wait3A_53 = arith.constant 0 : i32
        %dma_wait3A_54 = tpu.memref_slice %arg5[%dma_wait3A_52, %dma_wait3A_53] : memref<50000x128xf32, #tpu.memory_space<hbm>> -> memref<50000x128xf32, #tpu.memory_space<hbm>>
        tpu.wait_indirect_dma semaphore(%arg14 : memref<!tpu.dma_semaphore, #tpu.memory_space<semaphore_mem>>) src(%dma_wait3A_54 : memref<50000x128xf32, #tpu.memory_space<hbm>>) dst(%arg11 : memref<128x128xf32, #tpu.memory_space<vmem>>)
        %scan3A_55 = arith.constant 0 : i32
        %scan3A_56 = arith.constant 1 : i32
        %scan3A_57 = arith.constant 15 : i32
        %scan3A_58 = arith.addi %scan3A_56, %scan3A_57 : i32
        %scan3A_59 = arith.constant 1 : i32
        scf.for %scan3A_77 = %scan3A_56 to %scan3A_58 step %scan3A_59  : i32 {
          %mul3A_78 = arith.constant 128 : i32
          %mul3A_79 = arith.muli %scan3A_77, %mul3A_78 : i32
          %add3A_80 = arith.addi %mul3A_17, %mul3A_79 : i32
          %dma_start3A_81 = tpu.memref_slice %arg8[%add3A_80] : memref<4096xi32, #tpu.memory_space<vmem>> -> memref<128xi32, #tpu.memory_space<vmem>>
          %dma_start3A_82 = arith.constant 0 : i32
          %dma_start3A_83 = arith.constant 0 : i32
          %dma_start3A_84 = tpu.memref_slice %arg4[%dma_start3A_82, %dma_start3A_83] : memref<50000x128xf32, #tpu.memory_space<hbm>> -> memref<50000x128xf32, #tpu.memory_space<hbm>>
          tpu.enqueue_indirect_dma source(%dma_start3A_84 : memref<50000x128xf32, #tpu.memory_space<hbm>>) target(%arg10 : memref<128x128xf32, #tpu.memory_space<vmem>>) offsets(%dma_start3A_81 : memref<128xi32, #tpu.memory_space<vmem>>) semaphore(%arg13 : memref<!tpu.dma_semaphore, #tpu.memory_space<semaphore_mem>>) {add = true}
          %dma_start3A_85 = tpu.memref_slice %arg9[%add3A_80] : memref<4096xi32, #tpu.memory_space<vmem>> -> memref<128xi32, #tpu.memory_space<vmem>>
          %dma_start3A_86 = arith.constant 0 : i32
          %dma_start3A_87 = arith.constant 0 : i32
          %dma_start3A_88 = tpu.memref_slice %arg5[%dma_start3A_86, %dma_start3A_87] : memref<50000x128xf32, #tpu.memory_space<hbm>> -> memref<50000x128xf32, #tpu.memory_space<hbm>>
          tpu.enqueue_indirect_dma source(%dma_start3A_88 : memref<50000x128xf32, #tpu.memory_space<hbm>>) target(%arg11 : memref<128x128xf32, #tpu.memory_space<vmem>>) offsets(%dma_start3A_85 : memref<128xi32, #tpu.memory_space<vmem>>) semaphore(%arg14 : memref<!tpu.dma_semaphore, #tpu.memory_space<semaphore_mem>>) {add = true}
        }
        %scan3A_60 = arith.constant 15 : i32
        %add3A_61 = arith.constant 1 : i32
        %add3A_62 = arith.addi %scan3A_10, %add3A_61 : i32
        %mul3A_63 = arith.constant 32 : i32
        %mul3A_64 = arith.muli %add3A_62, %mul3A_63 : i32
        %add3A_65 = arith.addi %mul3A_64, %add3A_2 : i32
        %lt3A_66 = arith.constant 79 : i32
        %lt3A_67 = arith.cmpi slt, %add3A_65, %lt3A_66 : i32
        %convert_element_type3A_68 = arith.extui %lt3A_67 : i1 to i32
        %cond3A_69 = arith.constant 0 : i32
        %cond3A_70 = arith.cmpi ne, %convert_element_type3A_68, %cond3A_69 : i32
        scf.if %cond3A_70 {
          %sub3A = arith.constant 2048 : i32
          %sub3A_77 = arith.subi %sub3A, %mul3A_17 : i32
          %mul3A_78 = arith.constant 2048 : i32
          %mul3A_79 = arith.muli %add3A_65, %mul3A_78 : i32
          %dma_start3A_80 = tpu.memref_slice %arg8[%sub3A_77] : memref<4096xi32, #tpu.memory_space<vmem>> -> memref<2048xi32, #tpu.memory_space<vmem>>
          %dma_start3A_81 = tpu.memref_slice %arg2[%mul3A_79] : memref<161792xi32, #tpu.memory_space<hbm>> -> memref<2048xi32, #tpu.memory_space<hbm>>
          %dma_start3A_82 = tpu.memref_slice %arg8[%sub3A_77] : memref<4096xi32, #tpu.memory_space<vmem>> -> memref<2048xi32, #tpu.memory_space<vmem>>
          %dma_start3A_83 = tpu.memref_slice %arg2[%mul3A_79] : memref<161792xi32, #tpu.memory_space<hbm>> -> memref<2048xi32, #tpu.memory_space<hbm>>
          tpu.enqueue_dma source(%dma_start3A_83 : memref<2048xi32, #tpu.memory_space<hbm>>) target(%dma_start3A_82 : memref<2048xi32, #tpu.memory_space<vmem>>) target_semaphore(%arg12 : memref<!tpu.dma_semaphore, #tpu.memory_space<semaphore_mem>>)
          %mul3A_84 = arith.constant 2048 : i32
          %mul3A_85 = arith.muli %add3A_65, %mul3A_84 : i32
          %dma_start3A_86 = tpu.memref_slice %arg9[%sub3A_77] : memref<4096xi32, #tpu.memory_space<vmem>> -> memref<2048xi32, #tpu.memory_space<vmem>>
          %dma_start3A_87 = tpu.memref_slice %arg3[%mul3A_85] : memref<161792xi32, #tpu.memory_space<hbm>> -> memref<2048xi32, #tpu.memory_space<hbm>>
          %dma_start3A_88 = tpu.memref_slice %arg9[%sub3A_77] : memref<4096xi32, #tpu.memory_space<vmem>> -> memref<2048xi32, #tpu.memory_space<vmem>>
          %dma_start3A_89 = tpu.memref_slice %arg3[%mul3A_85] : memref<161792xi32, #tpu.memory_space<hbm>> -> memref<2048xi32, #tpu.memory_space<hbm>>
          tpu.enqueue_dma source(%dma_start3A_89 : memref<2048xi32, #tpu.memory_space<hbm>>) target(%dma_start3A_88 : memref<2048xi32, #tpu.memory_space<vmem>>) target_semaphore(%arg12 : memref<!tpu.dma_semaphore, #tpu.memory_space<semaphore_mem>>)
        } else {
        }
        %scan3A_71 = arith.constant 0 : i32
        %scan3A_72 = arith.constant 1 : i32
        %scan3A_73 = arith.constant 15 : i32
        %scan3A_74 = arith.addi %scan3A_72, %scan3A_73 : i32
        %scan3A_75 = arith.constant 1 : i32
        scf.for %scan3A_77 = %scan3A_72 to %scan3A_74 step %scan3A_75  : i32 {
          %dma_wait3A_78 = arith.constant 0 : i32
          %dma_wait3A_79 = tpu.memref_slice %arg8[%dma_wait3A_78] : memref<4096xi32, #tpu.memory_space<vmem>> -> memref<128xi32, #tpu.memory_space<vmem>>
          %dma_wait3A_80 = arith.constant 0 : i32
          %dma_wait3A_81 = arith.constant 0 : i32
          %dma_wait3A_82 = tpu.memref_slice %arg4[%dma_wait3A_80, %dma_wait3A_81] : memref<50000x128xf32, #tpu.memory_space<hbm>> -> memref<50000x128xf32, #tpu.memory_space<hbm>>
          tpu.wait_indirect_dma semaphore(%arg13 : memref<!tpu.dma_semaphore, #tpu.memory_space<semaphore_mem>>) src(%dma_wait3A_82 : memref<50000x128xf32, #tpu.memory_space<hbm>>) dst(%arg10 : memref<128x128xf32, #tpu.memory_space<vmem>>)
          %dma_wait3A_83 = arith.constant 0 : i32
          %dma_wait3A_84 = tpu.memref_slice %arg9[%dma_wait3A_83] : memref<4096xi32, #tpu.memory_space<vmem>> -> memref<128xi32, #tpu.memory_space<vmem>>
          %dma_wait3A_85 = arith.constant 0 : i32
          %dma_wait3A_86 = arith.constant 0 : i32
          %dma_wait3A_87 = tpu.memref_slice %arg5[%dma_wait3A_85, %dma_wait3A_86] : memref<50000x128xf32, #tpu.memory_space<hbm>> -> memref<50000x128xf32, #tpu.memory_space<hbm>>
          tpu.wait_indirect_dma semaphore(%arg14 : memref<!tpu.dma_semaphore, #tpu.memory_space<semaphore_mem>>) src(%dma_wait3A_87 : memref<50000x128xf32, #tpu.memory_space<hbm>>) dst(%arg11 : memref<128x128xf32, #tpu.memory_space<vmem>>)
        }
        %scan3A_76 = arith.constant 15 : i32
        "tpu.region"() ({
          %run_scoped3A = tpu.sem_alloc : memref<!tpu.dma_semaphore, #tpu.memory_space<semaphore_mem>>
          %dma_start3A_77 = arith.constant 0 : i32
          %dma_start3A_78 = tpu.memref_slice %arg6[%mul3A_24, %dma_start3A_77] : memref<10112x128xf32, #tpu.memory_space<hbm>> -> memref<128x128xf32, #tpu.memory_space<hbm>>
          %dma_start3A_79 = arith.constant 0 : i32
          %dma_start3A_80 = tpu.memref_slice %arg6[%mul3A_24, %dma_start3A_79] : memref<10112x128xf32, #tpu.memory_space<hbm>> -> memref<128x128xf32, #tpu.memory_space<hbm>>
          tpu.enqueue_dma source(%arg10 : memref<128x128xf32, #tpu.memory_space<vmem>>) target(%dma_start3A_80 : memref<128x128xf32, #tpu.memory_space<hbm>>) target_semaphore(%run_scoped3A : memref<!tpu.dma_semaphore, #tpu.memory_space<semaphore_mem>>)
          %dma_wait3A_81 = arith.constant 0 : i32
          %dma_wait3A_82 = tpu.memref_slice %arg6[%mul3A_24, %dma_wait3A_81] : memref<10112x128xf32, #tpu.memory_space<hbm>> -> memref<128x128xf32, #tpu.memory_space<hbm>>
          %dma_wait3A_83 = arith.constant 0 : i32
          %dma_wait3A_84 = tpu.memref_slice %arg6[%mul3A_24, %dma_wait3A_83] : memref<10112x128xf32, #tpu.memory_space<hbm>> -> memref<128x128xf32, #tpu.memory_space<hbm>>
          tpu.wait_dma2 semaphore(%run_scoped3A : memref<!tpu.dma_semaphore, #tpu.memory_space<semaphore_mem>>) src(%arg10 : memref<128x128xf32, #tpu.memory_space<vmem>>) dst(%dma_wait3A_84 : memref<128x128xf32, #tpu.memory_space<hbm>>)
          tpu.yield
        }) : () -> ()
        "tpu.region"() ({
          %run_scoped3A = tpu.sem_alloc : memref<!tpu.dma_semaphore, #tpu.memory_space<semaphore_mem>>
          %dma_start3A_77 = arith.constant 0 : i32
          %dma_start3A_78 = tpu.memref_slice %arg7[%mul3A_24, %dma_start3A_77] : memref<10112x128xf32, #tpu.memory_space<hbm>> -> memref<128x128xf32, #tpu.memory_space<hbm>>
          %dma_start3A_79 = arith.constant 0 : i32
          %dma_start3A_80 = tpu.memref_slice %arg7[%mul3A_24, %dma_start3A_79] : memref<10112x128xf32, #tpu.memory_space<hbm>> -> memref<128x128xf32, #tpu.memory_space<hbm>>
          tpu.enqueue_dma source(%arg11 : memref<128x128xf32, #tpu.memory_space<vmem>>) target(%dma_start3A_80 : memref<128x128xf32, #tpu.memory_space<hbm>>) target_semaphore(%run_scoped3A : memref<!tpu.dma_semaphore, #tpu.memory_space<semaphore_mem>>)
          %dma_wait3A_81 = arith.constant 0 : i32
          %dma_wait3A_82 = tpu.memref_slice %arg7[%mul3A_24, %dma_wait3A_81] : memref<10112x128xf32, #tpu.memory_space<hbm>> -> memref<128x128xf32, #tpu.memory_space<hbm>>
          %dma_wait3A_83 = arith.constant 0 : i32
          %dma_wait3A_84 = tpu.memref_slice %arg7[%mul3A_24, %dma_wait3A_83] : memref<10112x128xf32, #tpu.memory_space<hbm>> -> memref<128x128xf32, #tpu.memory_space<hbm>>
          tpu.wait_dma2 semaphore(%run_scoped3A : memref<!tpu.dma_semaphore, #tpu.memory_space<semaphore_mem>>) src(%arg11 : memref<128x128xf32, #tpu.memory_space<vmem>>) dst(%dma_wait3A_84 : memref<128x128xf32, #tpu.memory_space<hbm>>)
          tpu.yield
        }) : () -> ()
      } else {
      }
    }
    %scan3A_9 = arith.constant 3 : i32
    return
  }
}

#map = affine_map<(d0, d1) -> (0)>
#map1 = affine_map<(d0, d1) -> (0, 0)>
module attributes {stable_mosaic.version = 14 : i64} {
  func.func @body(%arg0: i32, %arg1: i32, %arg2: memref<10112xi32, #tpu.memory_space<hbm>>, %arg3: memref<800000xi32, #tpu.memory_space<hbm>>, %arg4: memref<800000xi32, #tpu.memory_space<hbm>>, %arg5: memref<50000x128xf32, #tpu.memory_space<hbm>>, %arg6: memref<10112x128xf32, #tpu.memory_space<hbm>>, %arg7: memref<161792xi32, #tpu.memory_space<hbm>>, %arg8: memref<161792xi32, #tpu.memory_space<hbm>>, %arg9: memref<128xi32, #tpu.memory_space<vmem>>, %arg10: memref<2048xi32, #tpu.memory_space<vmem>>, %arg11: memref<2048xi32, #tpu.memory_space<vmem>>, %arg12: memref<2048xi32, #tpu.memory_space<vmem>>, %arg13: memref<128x128xf32, #tpu.memory_space<vmem>>, %arg14: memref<!tpu.dma_semaphore, #tpu.memory_space<semaphore_mem>>, %arg15: memref<!tpu.dma_semaphore, #tpu.memory_space<semaphore_mem>>) attributes {dimension_semantics = [#tpu.dimension_semantics<core_parallel>, #tpu.dimension_semantics<subcore_parallel>], iteration_bounds = array<i64: 2, 16>, scalar_prefetch = 0 : i64, scratch_operands = 7 : i64, tpu.core_type = #tpu.core_type<sc_vector_subcore>, window_params = [{transform_indices = #map}, {transform_indices = #map}, {transform_indices = #map}, {transform_indices = #map1}, {transform_indices = #map1}, {transform_indices = #map}, {transform_indices = #map}]} {
    %add3A = arith.addi %arg1, %arg0 : i32
    %rem3A = arith.constant 2 : i32
    %rem3A_0 = arith.remsi %add3A, %rem3A : i32
    %mul3A = arith.constant 16 : i32
    %mul3A_1 = arith.muli %rem3A_0, %mul3A : i32
    %add3A_2 = arith.addi %mul3A_1, %arg1 : i32
    %scan3A = arith.constant 0 : i32
    %scan3A_3 = arith.constant 0 : i32
    %scan3A_4 = arith.constant 3 : i32
    %scan3A_5 = arith.addi %scan3A_3, %scan3A_4 : i32
    %scan3A_6 = arith.constant 1 : i32
    scf.for %scan3A_8 = %scan3A_3 to %scan3A_5 step %scan3A_6  : i32 {
      %mul3A_9 = arith.constant 32 : i32
      %mul3A_10 = arith.muli %scan3A_8, %mul3A_9 : i32
      %add3A_11 = arith.addi %mul3A_10, %add3A_2 : i32
      %lt3A = arith.constant 79 : i32
      %lt3A_12 = arith.cmpi slt, %add3A_11, %lt3A : i32
      %convert_element_type3A = arith.extui %lt3A_12 : i1 to i32
      %cond3A = arith.constant 0 : i32
      %cond3A_13 = arith.cmpi ne, %convert_element_type3A, %cond3A : i32
      scf.if %cond3A_13 {
        %mul3A_14 = arith.constant 128 : i32
        %mul3A_15 = arith.muli %add3A_11, %mul3A_14 : i32
        "tpu.region"() ({
          %run_scoped3A = tpu.sem_alloc : memref<!tpu.dma_semaphore, #tpu.memory_space<semaphore_mem>>
          %dma_start3A_36 = tpu.memref_slice %arg2[%mul3A_15] : memref<10112xi32, #tpu.memory_space<hbm>> -> memref<128xi32, #tpu.memory_space<hbm>>
          %dma_start3A_37 = tpu.memref_slice %arg2[%mul3A_15] : memref<10112xi32, #tpu.memory_space<hbm>> -> memref<128xi32, #tpu.memory_space<hbm>>
          tpu.enqueue_dma source(%dma_start3A_37 : memref<128xi32, #tpu.memory_space<hbm>>) target(%arg9 : memref<128xi32, #tpu.memory_space<vmem>>) target_semaphore(%run_scoped3A : memref<!tpu.dma_semaphore, #tpu.memory_space<semaphore_mem>>)
          %dma_wait3A_38 = tpu.memref_slice %arg2[%mul3A_15] : memref<10112xi32, #tpu.memory_space<hbm>> -> memref<128xi32, #tpu.memory_space<hbm>>
          %dma_wait3A_39 = tpu.memref_slice %arg2[%mul3A_15] : memref<10112xi32, #tpu.memory_space<hbm>> -> memref<128xi32, #tpu.memory_space<hbm>>
          tpu.wait_dma2 semaphore(%run_scoped3A : memref<!tpu.dma_semaphore, #tpu.memory_space<semaphore_mem>>) src(%dma_wait3A_39 : memref<128xi32, #tpu.memory_space<hbm>>) dst(%arg9 : memref<128xi32, #tpu.memory_space<vmem>>)
          tpu.yield
        }) : () -> ()
        %dma_start3A = arith.constant 0 : i32
        %dma_start3A_16 = arith.constant 0 : i32
        %dma_start3A_17 = tpu.memref_slice %arg5[%dma_start3A, %dma_start3A_16] : memref<50000x128xf32, #tpu.memory_space<hbm>> -> memref<50000x128xf32, #tpu.memory_space<hbm>>
        tpu.enqueue_indirect_dma source(%dma_start3A_17 : memref<50000x128xf32, #tpu.memory_space<hbm>>) target(%arg13 : memref<128x128xf32, #tpu.memory_space<vmem>>) offsets(%arg9 : memref<128xi32, #tpu.memory_space<vmem>>) semaphore(%arg15 : memref<!tpu.dma_semaphore, #tpu.memory_space<semaphore_mem>>)
        %scan3A_18 = arith.constant 0 : i32
        %scan3A_19 = arith.constant 0 : i32
        %scan3A_20 = arith.constant 16 : i32
        %scan3A_21 = arith.addi %scan3A_19, %scan3A_20 : i32
        %scan3A_22 = arith.constant 1 : i32
        scf.for %scan3A_36 = %scan3A_19 to %scan3A_21 step %scan3A_22  : i32 {
          %scan3A_37 = arith.constant 0 : i32
          %scan3A_38 = arith.constant 0 : i32
          %scan3A_39 = arith.constant 8 : i32
          %scan3A_40 = arith.addi %scan3A_38, %scan3A_39 : i32
          %scan3A_41 = arith.constant 1 : i32
          scf.for %scan3A_53 = %scan3A_38 to %scan3A_40 step %scan3A_41  : i32 {
            %mul3A_54 = arith.constant 16 : i32
            %mul3A_55 = arith.muli %scan3A_53, %mul3A_54 : i32
            %get3A = arith.index_cast %mul3A_55 : i32 to index
            %get3A_56 = tpu.vector_load %arg9[%get3A] {strides = array<i32>} : memref<128xi32, #tpu.memory_space<vmem>>, vector<16xi32>,
            %get3A_57 = vector.shape_cast %get3A_56 : vector<16xi32> to vector<16xi32>
            %mul3A_58 = arith.constant 50000 : i32
            %mul3A_59 = arith.muli %scan3A_36, %mul3A_58 : i32
            %add3A_60 = vector.broadcast %mul3A_59 : i32 to vector<16xi32>
            %add3A_61 = arith.addi %get3A_57, %add3A_60 : vector<16xi32>
            %mul3A_62 = arith.constant 128 : i32
            %mul3A_63 = arith.muli %scan3A_36, %mul3A_62 : i32
            %mul3A_64 = arith.constant 16 : i32
            %mul3A_65 = arith.muli %scan3A_53, %mul3A_64 : i32
            %add3A_66 = arith.addi %mul3A_63, %mul3A_65 : i32
            %swap3A = arith.index_cast %add3A_66 : i32 to index
            %swap3A_67 = tpu.vector_load %arg10[%swap3A] {strides = array<i32>} : memref<2048xi32, #tpu.memory_space<vmem>>, vector<16xi32>,
            %swap3A_68 = vector.shape_cast %swap3A_67 : vector<16xi32> to vector<16xi32>
            %swap3A_69 = vector.shape_cast %add3A_61 : vector<16xi32> to vector<16xi32>
            tpu.vector_store %arg10[%swap3A], %swap3A_69 {strides = array<i32>} : memref<2048xi32, #tpu.memory_space<vmem>>, vector<16xi32>,
          }
          %scan3A_42 = arith.constant 8 : i32
          %mul3A_43 = arith.constant 128 : i32
          %mul3A_44 = arith.muli %scan3A_36, %mul3A_43 : i32
          %dma_start3A_45 = tpu.memref_slice %arg11[%mul3A_44] : memref<2048xi32, #tpu.memory_space<vmem>> -> memref<128xi32, #tpu.memory_space<vmem>>
          %dma_start3A_46 = tpu.memref_slice %arg10[%mul3A_44] : memref<2048xi32, #tpu.memory_space<vmem>> -> memref<128xi32, #tpu.memory_space<vmem>>
          %dma_start3A_47 = arith.constant 0 : i32
          %dma_start3A_48 = tpu.memref_slice %arg3[%dma_start3A_47] : memref<800000xi32, #tpu.memory_space<hbm>> -> memref<800000xi32, #tpu.memory_space<hbm>>
          tpu.enqueue_indirect_dma source(%dma_start3A_48 : memref<800000xi32, #tpu.memory_space<hbm>>) target(%dma_start3A_45 : memref<128xi32, #tpu.memory_space<vmem>>) offsets(%dma_start3A_46 : memref<128xi32, #tpu.memory_space<vmem>>) semaphore(%arg14 : memref<!tpu.dma_semaphore, #tpu.memory_space<semaphore_mem>>)
          %dma_start3A_49 = tpu.memref_slice %arg12[%mul3A_44] : memref<2048xi32, #tpu.memory_space<vmem>> -> memref<128xi32, #tpu.memory_space<vmem>>
          %dma_start3A_50 = tpu.memref_slice %arg10[%mul3A_44] : memref<2048xi32, #tpu.memory_space<vmem>> -> memref<128xi32, #tpu.memory_space<vmem>>
          %dma_start3A_51 = arith.constant 0 : i32
          %dma_start3A_52 = tpu.memref_slice %arg4[%dma_start3A_51] : memref<800000xi32, #tpu.memory_space<hbm>> -> memref<800000xi32, #tpu.memory_space<hbm>>
          tpu.enqueue_indirect_dma source(%dma_start3A_52 : memref<800000xi32, #tpu.memory_space<hbm>>) target(%dma_start3A_49 : memref<128xi32, #tpu.memory_space<vmem>>) offsets(%dma_start3A_50 : memref<128xi32, #tpu.memory_space<vmem>>) semaphore(%arg14 : memref<!tpu.dma_semaphore, #tpu.memory_space<semaphore_mem>>)
        }
        %scan3A_23 = arith.constant 16 : i32
        %scan3A_24 = arith.constant 0 : i32
        %scan3A_25 = arith.constant 0 : i32
        %scan3A_26 = arith.constant 16 : i32
        %scan3A_27 = arith.addi %scan3A_25, %scan3A_26 : i32
        %scan3A_28 = arith.constant 1 : i32
        scf.for %scan3A_36 = %scan3A_25 to %scan3A_27 step %scan3A_28  : i32 {
          %dma_wait3A_37 = arith.constant 0 : i32
          %dma_wait3A_38 = tpu.memref_slice %arg11[%dma_wait3A_37] : memref<2048xi32, #tpu.memory_space<vmem>> -> memref<128xi32, #tpu.memory_space<vmem>>
          %dma_wait3A_39 = arith.constant 0 : i32
          %dma_wait3A_40 = tpu.memref_slice %arg10[%dma_wait3A_39] : memref<2048xi32, #tpu.memory_space<vmem>> -> memref<128xi32, #tpu.memory_space<vmem>>
          %dma_wait3A_41 = arith.constant 0 : i32
          %dma_wait3A_42 = tpu.memref_slice %arg3[%dma_wait3A_41] : memref<800000xi32, #tpu.memory_space<hbm>> -> memref<800000xi32, #tpu.memory_space<hbm>>
          tpu.wait_indirect_dma semaphore(%arg14 : memref<!tpu.dma_semaphore, #tpu.memory_space<semaphore_mem>>) src(%dma_wait3A_42 : memref<800000xi32, #tpu.memory_space<hbm>>) dst(%dma_wait3A_38 : memref<128xi32, #tpu.memory_space<vmem>>)
          %dma_wait3A_43 = arith.constant 0 : i32
          %dma_wait3A_44 = tpu.memref_slice %arg12[%dma_wait3A_43] : memref<2048xi32, #tpu.memory_space<vmem>> -> memref<128xi32, #tpu.memory_space<vmem>>
          %dma_wait3A_45 = arith.constant 0 : i32
          %dma_wait3A_46 = tpu.memref_slice %arg10[%dma_wait3A_45] : memref<2048xi32, #tpu.memory_space<vmem>> -> memref<128xi32, #tpu.memory_space<vmem>>
          %dma_wait3A_47 = arith.constant 0 : i32
          %dma_wait3A_48 = tpu.memref_slice %arg4[%dma_wait3A_47] : memref<800000xi32, #tpu.memory_space<hbm>> -> memref<800000xi32, #tpu.memory_space<hbm>>
          tpu.wait_indirect_dma semaphore(%arg14 : memref<!tpu.dma_semaphore, #tpu.memory_space<semaphore_mem>>) src(%dma_wait3A_48 : memref<800000xi32, #tpu.memory_space<hbm>>) dst(%dma_wait3A_44 : memref<128xi32, #tpu.memory_space<vmem>>)
        }
        %scan3A_29 = arith.constant 16 : i32
        %mul3A_30 = arith.constant 2048 : i32
        %mul3A_31 = arith.muli %add3A_11, %mul3A_30 : i32
        "tpu.region"() ({
          %run_scoped3A = tpu.sem_alloc : memref<!tpu.dma_semaphore, #tpu.memory_space<semaphore_mem>>
          %dma_start3A_36 = tpu.memref_slice %arg7[%mul3A_31] : memref<161792xi32, #tpu.memory_space<hbm>> -> memref<2048xi32, #tpu.memory_space<hbm>>
          %dma_start3A_37 = tpu.memref_slice %arg7[%mul3A_31] : memref<161792xi32, #tpu.memory_space<hbm>> -> memref<2048xi32, #tpu.memory_space<hbm>>
          tpu.enqueue_dma source(%arg11 : memref<2048xi32, #tpu.memory_space<vmem>>) target(%dma_start3A_37 : memref<2048xi32, #tpu.memory_space<hbm>>) target_semaphore(%run_scoped3A : memref<!tpu.dma_semaphore, #tpu.memory_space<semaphore_mem>>)
          %dma_wait3A_38 = tpu.memref_slice %arg7[%mul3A_31] : memref<161792xi32, #tpu.memory_space<hbm>> -> memref<2048xi32, #tpu.memory_space<hbm>>
          %dma_wait3A_39 = tpu.memref_slice %arg7[%mul3A_31] : memref<161792xi32, #tpu.memory_space<hbm>> -> memref<2048xi32, #tpu.memory_space<hbm>>
          tpu.wait_dma2 semaphore(%run_scoped3A : memref<!tpu.dma_semaphore, #tpu.memory_space<semaphore_mem>>) src(%arg11 : memref<2048xi32, #tpu.memory_space<vmem>>) dst(%dma_wait3A_39 : memref<2048xi32, #tpu.memory_space<hbm>>)
          tpu.yield
        }) : () -> ()
        %mul3A_32 = arith.constant 2048 : i32
        %mul3A_33 = arith.muli %add3A_11, %mul3A_32 : i32
        "tpu.region"() ({
          %run_scoped3A = tpu.sem_alloc : memref<!tpu.dma_semaphore, #tpu.memory_space<semaphore_mem>>
          %dma_start3A_36 = tpu.memref_slice %arg8[%mul3A_33] : memref<161792xi32, #tpu.memory_space<hbm>> -> memref<2048xi32, #tpu.memory_space<hbm>>
          %dma_start3A_37 = tpu.memref_slice %arg8[%mul3A_33] : memref<161792xi32, #tpu.memory_space<hbm>> -> memref<2048xi32, #tpu.memory_space<hbm>>
          tpu.enqueue_dma source(%arg12 : memref<2048xi32, #tpu.memory_space<vmem>>) target(%dma_start3A_37 : memref<2048xi32, #tpu.memory_space<hbm>>) target_semaphore(%run_scoped3A : memref<!tpu.dma_semaphore, #tpu.memory_space<semaphore_mem>>)
          %dma_wait3A_38 = tpu.memref_slice %arg8[%mul3A_33] : memref<161792xi32, #tpu.memory_space<hbm>> -> memref<2048xi32, #tpu.memory_space<hbm>>
          %dma_wait3A_39 = tpu.memref_slice %arg8[%mul3A_33] : memref<161792xi32, #tpu.memory_space<hbm>> -> memref<2048xi32, #tpu.memory_space<hbm>>
          tpu.wait_dma2 semaphore(%run_scoped3A : memref<!tpu.dma_semaphore, #tpu.memory_space<semaphore_mem>>) src(%arg12 : memref<2048xi32, #tpu.memory_space<vmem>>) dst(%dma_wait3A_39 : memref<2048xi32, #tpu.memory_space<hbm>>)
          tpu.yield
        }) : () -> ()
        %dma_wait3A = arith.constant 0 : i32
        %dma_wait3A_34 = arith.constant 0 : i32
        %dma_wait3A_35 = tpu.memref_slice %arg5[%dma_wait3A, %dma_wait3A_34] : memref<50000x128xf32, #tpu.memory_space<hbm>> -> memref<50000x128xf32, #tpu.memory_space<hbm>>
        tpu.wait_indirect_dma semaphore(%arg15 : memref<!tpu.dma_semaphore, #tpu.memory_space<semaphore_mem>>) src(%dma_wait3A_35 : memref<50000x128xf32, #tpu.memory_space<hbm>>) dst(%arg13 : memref<128x128xf32, #tpu.memory_space<vmem>>)
        "tpu.region"() ({
          %run_scoped3A = tpu.sem_alloc : memref<!tpu.dma_semaphore, #tpu.memory_space<semaphore_mem>>
          %dma_start3A_36 = arith.constant 0 : i32
          %dma_start3A_37 = tpu.memref_slice %arg6[%mul3A_15, %dma_start3A_36] : memref<10112x128xf32, #tpu.memory_space<hbm>> -> memref<128x128xf32, #tpu.memory_space<hbm>>
          %dma_start3A_38 = arith.constant 0 : i32
          %dma_start3A_39 = tpu.memref_slice %arg6[%mul3A_15, %dma_start3A_38] : memref<10112x128xf32, #tpu.memory_space<hbm>> -> memref<128x128xf32, #tpu.memory_space<hbm>>
          tpu.enqueue_dma source(%arg13 : memref<128x128xf32, #tpu.memory_space<vmem>>) target(%dma_start3A_39 : memref<128x128xf32, #tpu.memory_space<hbm>>) target_semaphore(%run_scoped3A : memref<!tpu.dma_semaphore, #tpu.memory_space<semaphore_mem>>)
          %dma_wait3A_40 = arith.constant 0 : i32
          %dma_wait3A_41 = tpu.memref_slice %arg6[%mul3A_15, %dma_wait3A_40] : memref<10112x128xf32, #tpu.memory_space<hbm>> -> memref<128x128xf32, #tpu.memory_space<hbm>>
          %dma_wait3A_42 = arith.constant 0 : i32
          %dma_wait3A_43 = tpu.memref_slice %arg6[%mul3A_15, %dma_wait3A_42] : memref<10112x128xf32, #tpu.memory_space<hbm>> -> memref<128x128xf32, #tpu.memory_space<hbm>>
          tpu.wait_dma2 semaphore(%run_scoped3A : memref<!tpu.dma_semaphore, #tpu.memory_space<semaphore_mem>>) src(%arg13 : memref<128x128xf32, #tpu.memory_space<vmem>>) dst(%dma_wait3A_43 : memref<128x128xf32, #tpu.memory_space<hbm>>)
          tpu.yield
        }) : () -> ()
      } else {
      }
    }
    %scan3A_7 = arith.constant 3 : i32
    return
  }
}

module attributes {stable_mosaic.version = 14 : i64} {
  func.func @body(%arg0: i32, %arg1: memref<2000x128xf32, #tpu.memory_space<vmem>>, %arg2: memref<2000x128xf32, #tpu.memory_space<vmem>>, %arg3: memref<2000x128xf32, #tpu.memory_space<vmem>>, %arg4: memref<2000x128xf32, #tpu.memory_space<vmem>>, %arg5: memref<2000x128xf32, #tpu.memory_space<vmem>>) attributes {dimension_semantics = [#tpu.dimension_semantics<arbitrary>], iteration_bounds = array<i64: 25>, scalar_prefetch = 0 : i64, scratch_operands = 0 : i64, tpu.core_type = #tpu.core_type<tc>, window_params = [{transform_indices = @transform_0, window_bounds = array<i64: 2000, 128>}, {transform_indices = @transform_1, window_bounds = array<i64: 2000, 128>}, {transform_indices = @transform_2, window_bounds = array<i64: 2000, 128>}, {transform_indices = @transform_3, window_bounds = array<i64: 2000, 128>}, {transform_indices = @transform_4, window_bounds = array<i64: 2000, 128>}]} {
    %get3A = arith.constant 0 : index
    %get3A_0 = arith.constant 0 : index
    %get3A_1 = vector.load %arg1[%get3A, %get3A_0] : memref<2000x128xf32, #tpu.memory_space<vmem>>, vector<2000x128xf32>
    %get3A_2 = arith.constant 0 : index
    %get3A_3 = arith.constant 0 : index
    %get3A_4 = vector.load %arg2[%get3A_2, %get3A_3] : memref<2000x128xf32, #tpu.memory_space<vmem>>, vector<2000x128xf32>
    %add3A = arith.addf %get3A_1, %get3A_4 : vector<2000x128xf32>
    %swap3A = arith.constant 0 : index
    %swap3A_5 = arith.constant 0 : index
    %swap3A_6 = vector.load %arg4[%swap3A, %swap3A_5] : memref<2000x128xf32, #tpu.memory_space<vmem>>, vector<2000x128xf32>
    tpu.vector_store %arg4[%swap3A, %swap3A_5], %add3A {strides = array<i32>} : memref<2000x128xf32, #tpu.memory_space<vmem>>, vector<2000x128xf32>,
    %get3A_7 = arith.constant 0 : index
    %get3A_8 = arith.constant 0 : index
    %get3A_9 = vector.load %arg3[%get3A_7, %get3A_8] : memref<2000x128xf32, #tpu.memory_space<vmem>>, vector<2000x128xf32>
    %add3A_10 = arith.addf %get3A_1, %get3A_9 : vector<2000x128xf32>
    %swap3A_11 = arith.constant 0 : index
    %swap3A_12 = arith.constant 0 : index
    %swap3A_13 = vector.load %arg5[%swap3A_11, %swap3A_12] : memref<2000x128xf32, #tpu.memory_space<vmem>>, vector<2000x128xf32>
    tpu.vector_store %arg5[%swap3A_11, %swap3A_12], %add3A_10 {strides = array<i32>} : memref<2000x128xf32, #tpu.memory_space<vmem>>, vector<2000x128xf32>,
    return
  }
  func.func @transform_0(%arg0: i32) -> (i32, i32) {
    %c0_i32 = arith.constant 0 : i32
    %c0_i32_0 = arith.constant 0 : i32
    return %arg0, %c0_i32 : i32, i32
  }
  func.func @transform_1(%arg0: i32) -> (i32, i32) {
    %c0_i32 = arith.constant 0 : i32
    %c0_i32_0 = arith.constant 0 : i32
    return %arg0, %c0_i32 : i32, i32
  }
  func.func @transform_2(%arg0: i32) -> (i32, i32) {
    %c0_i32 = arith.constant 0 : i32
    %c0_i32_0 = arith.constant 0 : i32
    return %arg0, %c0_i32 : i32, i32
  }
  func.func @transform_3(%arg0: i32) -> (i32, i32) {
    %c0_i32 = arith.constant 0 : i32
    %c0_i32_0 = arith.constant 0 : i32
    return %arg0, %c0_i32 : i32, i32
  }
  func.func @transform_4(%arg0: i32) -> (i32, i32) {
    %c0_i32 = arith.constant 0 : i32
    %c0_i32_0 = arith.constant 0 : i32
    return %arg0, %c0_i32 : i32, i32
  }
}

module attributes {stable_mosaic.version = 14 : i64} {
  func.func @body(%arg0: i32, %arg1: memref<2000x128xf32, #tpu.memory_space<vmem>>, %arg2: memref<2000x128xf32, #tpu.memory_space<vmem>>, %arg3: memref<2000x128xf32, #tpu.memory_space<vmem>>, %arg4: memref<1x256xf32, #tpu.memory_space<vmem>>, %arg5: memref<1x256xf32, #tpu.memory_space<vmem>>, %arg6: memref<128x128xf32, #tpu.memory_space<vmem>>, %arg7: memref<1x128xf32, #tpu.memory_space<vmem>>, %arg8: memref<1xf32, #tpu.memory_space<smem>>, %arg9: memref<1xf32, #tpu.memory_space<smem>>, %arg10: memref<2000x128xf32, #tpu.memory_space<vmem>>) attributes {dimension_semantics = [#tpu.dimension_semantics<arbitrary>], iteration_bounds = array<i64: 5>, scalar_prefetch = 0 : i64, scratch_operands = 0 : i64, tpu.core_type = #tpu.core_type<tc>, window_params = [{transform_indices = @transform_0, window_bounds = array<i64: 2000, 128>}, {transform_indices = @transform_1, window_bounds = array<i64: 2000, 128>}, {transform_indices = @transform_2, window_bounds = array<i64: 2000, 128>}, {pipeline_mode = #tpu.pipeline_mode<synchronous>, transform_indices = @transform_3, window_bounds = array<i64: 1, 256>}, {pipeline_mode = #tpu.pipeline_mode<synchronous>, transform_indices = @transform_4, window_bounds = array<i64: 1, 256>}, {pipeline_mode = #tpu.pipeline_mode<synchronous>, transform_indices = @transform_5, window_bounds = array<i64: 128, 128>}, {pipeline_mode = #tpu.pipeline_mode<synchronous>, transform_indices = @transform_6, window_bounds = array<i64: 1, 128>}, {transform_indices = @transform_7, window_bounds = array<i64: 1>}, {transform_indices = @transform_8, window_bounds = array<i64: 1>}, {transform_indices = @transform_9, window_bounds = array<i64: 2000, 128>}]} {
    %get3A = arith.constant 0 : index
    %get3A_0 = arith.constant 0 : index
    %get3A_1 = vector.load %arg1[%get3A, %get3A_0] : memref<2000x128xf32, #tpu.memory_space<vmem>>, vector<2000x128xf32>
    %get3A_2 = arith.constant 0 : index
    %get3A_3 = arith.constant 0 : index
    %get3A_4 = vector.load %arg2[%get3A_2, %get3A_3] : memref<2000x128xf32, #tpu.memory_space<vmem>>, vector<2000x128xf32>
    %mul3A = arith.constant 6.250000e-02 : f32
    %mul3A_5 = vector.broadcast %mul3A : f32 to vector<2000x128xf32>
    %mul3A_6 = arith.mulf %get3A_4, %mul3A_5 : vector<2000x128xf32>
    %get3A_7 = arith.constant 0 : index
    %get3A_8 = arith.constant 0 : index
    %get3A_9 = vector.load %arg3[%get3A_7, %get3A_8] : memref<2000x128xf32, #tpu.memory_space<vmem>>, vector<2000x128xf32>
    %mul3A_10 = arith.constant 6.250000e-02 : f32
    %mul3A_11 = vector.broadcast %mul3A_10 : f32 to vector<2000x128xf32>
    %mul3A_12 = arith.mulf %get3A_9, %mul3A_11 : vector<2000x128xf32>
    %get3A_13 = arith.constant 0 : index
    %get3A_14 = arith.constant 0 : index
    %get3A_15 = vector.load %arg4[%get3A_13, %get3A_14] : memref<1x256xf32, #tpu.memory_space<vmem>>, vector<1x256xf32>
    %get3A_16 = arith.constant 0 : index
    %get3A_17 = arith.constant 0 : index
    %get3A_18 = vector.load %arg5[%get3A_16, %get3A_17] : memref<1x256xf32, #tpu.memory_space<vmem>>, vector<1x256xf32>
    %slice3A = vector.extract_strided_slice %get3A_15 {offsets = [0, 0], sizes = [1, 128], strides = [1, 1]} : vector<1x256xf32> to vector<1x128xf32>
    %mul3A_19 = vector.broadcast %slice3A : vector<1x128xf32> to vector<2000x128xf32>
    %mul3A_20 = arith.mulf %get3A_1, %mul3A_19 : vector<2000x128xf32>
    %reduce_sum3A = arith.constant dense<0.000000e+00> : vector<2000xf32>
    %reduce_sum3A_21 = vector.multi_reduction <add>, %mul3A_20, %reduce_sum3A [1] : vector<2000x128xf32> to vector<2000xf32>
    %broadcast_in_dim3A = vector.shape_cast %reduce_sum3A_21 : vector<2000xf32> to vector<2000x1xf32>
    %slice3A_22 = vector.extract_strided_slice %get3A_15 {offsets = [0, 128], sizes = [1, 128], strides = [1, 1]} : vector<1x256xf32> to vector<1x128xf32>
    %mul3A_23 = vector.broadcast %slice3A_22 : vector<1x128xf32> to vector<2000x128xf32>
    %mul3A_24 = arith.mulf %mul3A_6, %mul3A_23 : vector<2000x128xf32>
    %reduce_sum3A_25 = arith.constant dense<0.000000e+00> : vector<2000xf32>
    %reduce_sum3A_26 = vector.multi_reduction <add>, %mul3A_24, %reduce_sum3A_25 [1] : vector<2000x128xf32> to vector<2000xf32>
    %broadcast_in_dim3A_27 = vector.shape_cast %reduce_sum3A_26 : vector<2000xf32> to vector<2000x1xf32>
    %add3A = arith.addf %broadcast_in_dim3A, %broadcast_in_dim3A_27 : vector<2000x1xf32>
    %get3A_28 = arith.constant 0 : index
    %get3A_29 = memref.load %arg8[%get3A_28] : memref<1xf32, #tpu.memory_space<smem>>
    %add3A_30 = vector.broadcast %get3A_29 : f32 to vector<2000x1xf32>
    %add3A_31 = arith.addf %add3A, %add3A_30 : vector<2000x1xf32>
    %slice3A_32 = vector.extract_strided_slice %get3A_18 {offsets = [0, 0], sizes = [1, 128], strides = [1, 1]} : vector<1x256xf32> to vector<1x128xf32>
    %mul3A_33 = vector.broadcast %slice3A_32 : vector<1x128xf32> to vector<2000x128xf32>
    %mul3A_34 = arith.mulf %get3A_1, %mul3A_33 : vector<2000x128xf32>
    %reduce_sum3A_35 = arith.constant dense<0.000000e+00> : vector<2000xf32>
    %reduce_sum3A_36 = vector.multi_reduction <add>, %mul3A_34, %reduce_sum3A_35 [1] : vector<2000x128xf32> to vector<2000xf32>
    %broadcast_in_dim3A_37 = vector.shape_cast %reduce_sum3A_36 : vector<2000xf32> to vector<2000x1xf32>
    %slice3A_38 = vector.extract_strided_slice %get3A_18 {offsets = [0, 128], sizes = [1, 128], strides = [1, 1]} : vector<1x256xf32> to vector<1x128xf32>
    %mul3A_39 = vector.broadcast %slice3A_38 : vector<1x128xf32> to vector<2000x128xf32>
    %mul3A_40 = arith.mulf %mul3A_12, %mul3A_39 : vector<2000x128xf32>
    %reduce_sum3A_41 = arith.constant dense<0.000000e+00> : vector<2000xf32>
    %reduce_sum3A_42 = vector.multi_reduction <add>, %mul3A_40, %reduce_sum3A_41 [1] : vector<2000x128xf32> to vector<2000xf32>
    %broadcast_in_dim3A_43 = vector.shape_cast %reduce_sum3A_42 : vector<2000xf32> to vector<2000x1xf32>
    %add3A_44 = arith.addf %broadcast_in_dim3A_37, %broadcast_in_dim3A_43 : vector<2000x1xf32>
    %get3A_45 = arith.constant 0 : index
    %get3A_46 = memref.load %arg9[%get3A_45] : memref<1xf32, #tpu.memory_space<smem>>
    %add3A_47 = vector.broadcast %get3A_46 : f32 to vector<2000x1xf32>
    %add3A_48 = arith.addf %add3A_44, %add3A_47 : vector<2000x1xf32>
    %mul3A_49 = vector.broadcast %add3A_31 : vector<2000x1xf32> to vector<2000x128xf32>
    %mul3A_50 = arith.mulf %mul3A_49, %mul3A_6 : vector<2000x128xf32>
    %add3A_51 = arith.addf %get3A_1, %mul3A_50 : vector<2000x128xf32>
    %mul3A_52 = vector.broadcast %add3A_48 : vector<2000x1xf32> to vector<2000x128xf32>
    %mul3A_53 = arith.mulf %mul3A_52, %mul3A_12 : vector<2000x128xf32>
    %add3A_54 = arith.addf %add3A_51, %mul3A_53 : vector<2000x128xf32>
    %get3A_55 = arith.constant 0 : index
    %get3A_56 = arith.constant 0 : index
    %get3A_57 = vector.load %arg6[%get3A_55, %get3A_56] : memref<128x128xf32, #tpu.memory_space<vmem>>, vector<128x128xf32>
    %dot_general3A = arith.constant dense<0.000000e+00> : vector<2000x128xf32>
    %dot_general3A_58 = tpu.matmul %add3A_54, %get3A_57, %dot_general3A {dimension_numbers = #tpu.dot_dimension_numbers<[1], [0], [0], [1], [0, 0, 1, 1], [], []>, transpose_lhs_hint = false} : vector<2000x128xf32>, vector<128x128xf32>, vector<2000x128xf32> -> vector<2000x128xf32>
    %get3A_59 = arith.constant 0 : index
    %get3A_60 = arith.constant 0 : index
    %get3A_61 = vector.load %arg7[%get3A_59, %get3A_60] : memref<1x128xf32, #tpu.memory_space<vmem>>, vector<1x128xf32>
    %add3A_62 = vector.broadcast %get3A_61 : vector<1x128xf32> to vector<2000x128xf32>
    %add3A_63 = arith.addf %dot_general3A_58, %add3A_62 : vector<2000x128xf32>
    %swap3A = arith.constant 0 : index
    %swap3A_64 = arith.constant 0 : index
    %swap3A_65 = vector.load %arg10[%swap3A, %swap3A_64] : memref<2000x128xf32, #tpu.memory_space<vmem>>, vector<2000x128xf32>
    tpu.vector_store %arg10[%swap3A, %swap3A_64], %add3A_63 {strides = array<i32>} : memref<2000x128xf32, #tpu.memory_space<vmem>>, vector<2000x128xf32>,
    return
  }
  func.func @transform_0(%arg0: i32) -> (i32, i32) {
    %c0_i32 = arith.constant 0 : i32
    %c0_i32_0 = arith.constant 0 : i32
    return %arg0, %c0_i32 : i32, i32
  }
  func.func @transform_1(%arg0: i32) -> (i32, i32) {
    %c0_i32 = arith.constant 0 : i32
    %c0_i32_0 = arith.constant 0 : i32
    return %arg0, %c0_i32 : i32, i32
  }
  func.func @transform_2(%arg0: i32) -> (i32, i32) {
    %c0_i32 = arith.constant 0 : i32
    %c0_i32_0 = arith.constant 0 : i32
    return %arg0, %c0_i32 : i32, i32
  }
  func.func @transform_3(%arg0: i32) -> (i32, i32) {
    %c0_i32 = arith.constant 0 : i32
    %c0_i32_0 = arith.constant 0 : i32
    %c0_i32_1 = arith.constant 0 : i32
    return %c0_i32, %c0_i32_0 : i32, i32
  }
  func.func @transform_4(%arg0: i32) -> (i32, i32) {
    %c0_i32 = arith.constant 0 : i32
    %c0_i32_0 = arith.constant 0 : i32
    %c0_i32_1 = arith.constant 0 : i32
    return %c0_i32, %c0_i32_0 : i32, i32
  }
  func.func @transform_5(%arg0: i32) -> (i32, i32) {
    %c0_i32 = arith.constant 0 : i32
    %c0_i32_0 = arith.constant 0 : i32
    %c0_i32_1 = arith.constant 0 : i32
    return %c0_i32, %c0_i32_0 : i32, i32
  }
  func.func @transform_6(%arg0: i32) -> (i32, i32) {
    %c0_i32 = arith.constant 0 : i32
    %c0_i32_0 = arith.constant 0 : i32
    %c0_i32_1 = arith.constant 0 : i32
    return %c0_i32, %c0_i32_0 : i32, i32
  }
  func.func @transform_7(%arg0: i32) -> i32 {
    %c0_i32 = arith.constant 0 : i32
    %c0_i32_0 = arith.constant 0 : i32
    return %c0_i32 : i32
  }
  func.func @transform_8(%arg0: i32) -> i32 {
    %c0_i32 = arith.constant 0 : i32
    %c0_i32_0 = arith.constant 0 : i32
    return %c0_i32 : i32
  }
  func.func @transform_9(%arg0: i32) -> (i32, i32) {
    %c0_i32 = arith.constant 0 : i32
    %c0_i32_0 = arith.constant 0 : i32
    return %arg0, %c0_i32 : i32, i32
  }
}

</mosaic_0001>

<sc_bundles>
// kernel: kernel.6.cloned.1.call-start
scs
__scs_entry_jumppad:
0x0: {  	(pc) =	sbr.rel $0x88, $3  }
0x1: {  	(tag) =	ssettag $0x0;
	lr =	simm.s32 $0x1  }
0x2: {  	[smem:$0x3F95] =	sst lr;
	_ =	strace $0xD0000000  }
0x3: {  	_ = 	snop  }
0x4: {  	_ = 	snop  }
0x5: {  	_ = 	snop  }
0x6: {  	_ = 	snop  }
0x7: {  	_ = 	snop  }
__scs_overlays_trampoline_lowered:
0x8: {  	[smem:$0x3FA4] =	sst s0  }
0x9: {  	[smem:$0x3FA5] =	sst s1  }
0xa: {  	[smem:$0x3FA6] =	sst s2  }
0xb: {  	[smem:$0x3FA7] =	sst s3  }
0xc: {  	[smem:$0x3FA8] =	sst s4  }
0xd: {  	[smem:$0x3FA9] =	sst s5  }
0xe: {  	[smem:$0x3FAA] =	sst s6  }
0xf: {  	[smem:$0x3FAB] =	sst s7  }
0x10: {  	[smem:$0x3FAC] =	sst s8  }
0x11: {  	[smem:$0x3FAD] =	sst s9;
	s0 =	simm.s32 @!p0 $0x0  }
0x12: {  	s1 =	sld [smem:$0x3F93];
	s0 =	simm.s32 @p0 $0x1  }
0x13: {  	[smem:$0x3FAE] =	sst s0;
	s0 =	simm.s32 @!p1 $0x0  }
0x14: {  	s2 =	sld [smem:$0x3F92];
	s0 =	simm.s32 @p1 $0x1  }
0x15: {  	[smem:$0x3FAF] =	sst s0;
	s0 =	simm.s32 @!p2 $0x0  }
0x16: {  	s3 =	sld [smem:$0x3FDB];
	s0 =	simm.s32 @p2 $0x1  }
0x17: {  	s4 =	simm.s32 $0x1BF5;
	[smem:$0x3FB1] =	sst s0  }
0x18: {  	s0 =	sld [smem:$0x3F94];
	_ =	swait.ge [sflag:s4], $0x0  }
0x19: {  	s7 =	sld [smem:$0x3F95]  }
0x1a: {  	s8 =	sadd.s32 $0xFFFFE003, lr  }
0x1b: {  	s9 =	sadd.s32 $0xFFFFFEF7, lr;
	s5 =	simm.s32 $0xFFFFFFFF;
	p2 =	slt.u32 s8, $0xFFFFF086  }
0x1c: {  	p1 =	slt.u32 s9, $0xF7A;
	s5 =	simm.s32 @!p2 $0x0  }
0x1d: {  	s5 =	simm.s32 @p1 $0x1;
	p0 =	seq.s32 s7, s2  }
0x1e: {  	s7 =	smul.u32 @!p0 $0xF7A, s2;
	p2 =	seq.s32 @!p0 s5, $0x0  }
0x1f: {  	s9 =	smul.u32 $0xF7A, s1;
	s8 =	simm.s32 @!p0 $0x1BF5;
	p2 =	por !p2, p0  }
0x20: {  	[sflag:s8] =	ssyncset.s32 @!p0 $0xFFFFF086;
	s6 =	sadd.s32 @!p0 s3, s7;
	s7 =	simm.s32 @!p0 $0x108  }
0x21: {  	s3 =	sadd.s32 s3, s9;
	s6 =	sadd.s32 @!p0 $0x88, s6;
	s7 =	simm.s32 @p2 $0x1082  }
0x22: {  	[simem:s7], [sflag:s8] =	dma.local @!p0 [hbm:s6], $0xF7A  }
0x23: {  	s9 =	sor.u32 $0xD0000000, s2;
	s6 =	simm.s32 $0x108;
	_ =	swait.ge @!p0 [sflag:s8], $0x0  }
0x24: {  	s3 =	sadd.s32 $0x88, s3;
	s6 =	simm.s32 @!p1 $0x1082;
	[sflag:s4] =	ssyncset.s32 $0xFFFFF086  }
0x25: {  	[simem:s6], [sflag:s4] =	dma.local [hbm:s3], $0xF7A  }
0x26: {  	[smem:$0x3F95] =	sst s1;
	(tag) =	ssettag s2;
	_ =	strace s9  }
0x27: {  	s1 =	sld [smem:$0x3FA5]  }
0x28: {  	s2 =	sld [smem:$0x3FA6]  }
0x29: {  	s4 =	sld [smem:$0x3FA8]  }
0x2a: {  	p0 =	seq.s32 s5, $0x0;
	s5 =	sld [smem:$0x3FA9]  }
0x2b: {  	s6 =	sld [smem:$0x3FAA]  }
0x2c: {  	s7 =	sld [smem:$0x3FAB]  }
0x2d: {  	s3 =	simm.s32 $0x108;
	s8 =	sld [smem:$0x3FAC]  }
0x2e: {  	s3 =	simm.s32 @!p0 $0x1082;
	s9 =	sld [smem:$0x3FAD]  }
0x2f: {  	lr =	sadd.s32 s0, s3;
	s0 =	sld [smem:$0x3FA4]  }
0x30: {  	s3 =	sld [smem:$0x3FA7]  }
0x31: {  	[smem:$0x3FB0] =	sst s10  }
0x32: {  	s10 =	sld [smem:$0x3FAE];
	_ =	sdelay $0x3  }
0x33: {  	p0 =	seq.s32 s10, $0x1;
	s10 =	sld [smem:$0x3FB0];
	_ =	sdelay $0x3  }
0x34: {  	[smem:$0x3FB0] =	sst s10  }
0x35: {  	s10 =	sld [smem:$0x3FAF];
	_ =	sdelay $0x3  }
0x36: {  	p1 =	seq.s32 s10, $0x1;
	s10 =	sld [smem:$0x3FB0];
	_ =	sdelay $0x3  }
0x37: {  	[smem:$0x3FB0] =	sst s10  }
0x38: {  	s10 =	sld [smem:$0x3FB1]  }
0x39: {  	_ = 	snop;
	(pc) =	sbr.ind lr, $3  }
0x3a: {  	_ = 	snop  }
0x3b: {  	_ = 	snop  }
0x3c: {  	p2 =	seq.s32 s10, $0x1;
	s10 =	sld [smem:$0x3FB0]  }
0x3d: {  	_ =	shalt  }
0x3e: {  	_ =	shalt  }
0x3f: {  	_ =	shalt  }
0x40: {  	_ =	shalt  }
0x41: {  	_ =	shalt  }
0x42: {  	_ =	shalt  }
0x43: {  	_ =	shalt  }
0x44: {  	_ =	shalt  }
0x45: {  	_ =	shalt  }
0x46: {  	_ =	shalt  }
0x47: {  	_ =	shalt  }
0x48: {  	_ =	shalt  }
0x49: {  	_ =	shalt  }
0x4a: {  	_ =	shalt  }
0x4b: {  	_ =	shalt  }
0x4c: {  	_ =	shalt  }
0x4d: {  	_ =	shalt  }
0x4e: {  	_ =	shalt  }
0x4f: {  	_ =	shalt  }
0x50: {  	_ =	shalt  }
0x51: {  	_ =	shalt  }
0x52: {  	_ =	shalt  }
0x53: {  	_ =	shalt  }
0x54: {  	_ =	shalt  }
0x55: {  	_ =	shalt  }
0x56: {  	_ =	shalt  }
0x57: {  	_ =	shalt  }
0x58: {  	_ =	shalt  }
0x59: {  	_ =	shalt  }
0x5a: {  	_ =	shalt  }
0x5b: {  	_ =	shalt  }
0x5c: {  	_ =	shalt  }
0x5d: {  	_ =	shalt  }
0x5e: {  	_ =	shalt  }
0x5f: {  	_ =	shalt  }
0x60: {  	_ =	shalt  }
0x61: {  	_ =	shalt  }
0x62: {  	_ =	shalt  }
0x63: {  	_ =	shalt  }
0x64: {  	_ =	shalt  }
0x65: {  	_ =	shalt  }
0x66: {  	_ =	shalt  }
0x67: {  	_ =	shalt  }
0x68: {  	_ =	shalt  }
0x69: {  	_ =	shalt  }
0x6a: {  	_ =	shalt  }
0x6b: {  	_ =	shalt  }
0x6c: {  	_ =	shalt  }
0x6d: {  	_ =	shalt  }
0x6e: {  	_ =	shalt  }
0x6f: {  	_ =	shalt  }
0x70: {  	_ =	shalt  }
0x71: {  	_ =	shalt  }
0x72: {  	_ =	shalt  }
0x73: {  	_ =	shalt  }
0x74: {  	_ =	shalt  }
0x75: {  	_ =	shalt  }
0x76: {  	_ =	shalt  }
0x77: {  	_ =	shalt  }
0x78: {  	_ =	shalt  }
0x79: {  	_ =	shalt  }
0x7a: {  	_ =	shalt  }
0x7b: {  	_ =	shalt  }
0x7c: {  	_ =	shalt  }
0x7d: {  	_ =	shalt  }
0x7e: {  	_ =	shalt  }
0x7f: {  	_ =	shalt  }
0x80: {  	_ =	shalt  }
0x81: {  	_ =	shalt  }
0x82: {  	_ =	shalt  }
0x83: {  	_ =	shalt  }
0x84: {  	_ =	shalt  }
0x85: {  	_ =	shalt  }
0x86: {  	_ =	shalt  }
0x87: {  	_ =	shalt  }
.Lfunc_end0:
.L_simem_size_0:
called_computation_lowered:
.L_overlay_start_0:
0x88: {  	s2 =	sld [smem:$0x3FD9]  }
0x89: {  	s3 =	sld [smem:$0x3FFE];
	_ =	sdelay $0x1  }
0x8a: {  	s1 =	srdreg.scid  }
0x8b: {  	s0 =	sand.u32 $0x1, s1  }
0x8c: {  	s17 =	sshll.u32 s0, $0xA;
	s2 =	sadd.s32 s3, s2  }
0x8d: {  	s2 =	sadd.s32 s2, s17  }
0x8e: {  	[smem:$0x3FBC] =	sst s2  }
0x8f: {  	_ = 	snop  }
0x90: {  	s2 =	sld [smem:$0x3FC8]  }
0x91: {  	s18 =	sld [smem:$0x3FD0];
	(tm) =	ssettm $0x1  }
0x92: {  	s4 =	sld [smem:$0x3FFB];
	_ =	sdelay $0x3  }
0x93: {  	_ =	strace s4  }
0x94: {  	s4 =	sld [smem:$0x3FFC];
	_ =	sdelay $0x3  }
0x95: {  	_ =	strace s4  }
0x96: {  	s4 =	sld [smem:$0x3FFD];
	_ =	sdelay $0x3  }
0x97: {  	_ =	strace s4  }
0x98: {  	_ =	strace $0x8FFFFFFF  }
0x99: {  	s19 =	sld [smem:$0x3FDB];
	_ =	sdelay $0x1  }
0x9a: {  	s5 =	simm.s32 $_scs_section_size  }
0x9b: {  	s6 =	simm.s32 $_size__tile_overlayer_lowered;
	s7 =	simm.s32 $_tile_overlayer_lowered  }
0x9c: {  	s22 =	simm.s32 $0x1BFF;
	s21 =	sshll.u32 s7, $0x1;
	s4 =	sadd.s32 s5, s19  }
0x9d: {  	s8 =	simm.s32 $0x0;
	s20 =	sshll.u32 s6, $0x1;
	s6 =	sadd.s32 s21, s4  }
0x9e: {  	[timem:s8], [sflag:s22] =	dma.local [hbm:s6], s20  }
0x9f: {  	_ =	swait.ge [sflag:s22], s20  }
0xa0: {  	s5 =	ssub.s32 $0x0, s20;
	[sflag:s22] =	ssyncset.done $0x0  }
0xa1: {  	[sflag:s22] =	ssyncadd.s32 s5;
	_ =	sdelay $0x1  }
0xa2: {  	s23 =	simm.s32 $0x1B8B  }
0xa3: {  	_ =	swait.ge [sflag:s23], $0x1  }
0xa4: {  	[sflag:s23] =	ssyncset.done $0x0  }
0xa5: {  	s25 =	simm.s32 $0x1B8E;
	s24 =	sld [smem:$0x3FFE];
	[sflag:s23] =	ssyncadd.s32 $0xFFFFFFFF  }
0xa6: {  	s26 =	simm.s32 $execute0_lowered;
	[smem:$0x3FD2] =	sst s25  }
0xa7: {  	s6 =	sshll.u32 s26, $0x1;
	_ =	strace $0x80000046;
	[dreg:$0x1] =	wrdreg $0xFFFFFFFF  }
0xa8: {  	s28 =	simm.s32 $_size_execute0_lowered;
	s4 =	sadd.s32 s4, s6;
	[dreg:$0x0] =	wrdreg $0x0  }
0xa9: {  	s6 =	sshll.u32 s28, $0x1;
	[dreg:$0x2] =	wrdreg s4  }
0xaa: {  	[dreg:$0x3] =	wrdreg s6  }
0xab: {  	[dreg:$0x4] =	wrdreg $0xC0  }
0xac: {  	_ =	task [dreg:s8], $0x5FFFF  }
0xad: {  	[dreg:$0x1] =	wrdreg $0xFFFFFFFF  }
0xae: {  	[dreg:$0x0] =	wrdreg $0x60  }
0xaf: {  	[dreg:$0x2] =	wrdreg s24  }
0xb0: {  	[dreg:$0x3] =	wrdreg s18  }
0xb1: {  	[dreg:$0x4] =	wrdreg s2  }
0xb2: {  	[dreg:$0x5] =	wrdreg $0x9  }
0xb3: {  	_ =	task.clear_ibuf [dreg:s8], $0x6FFFF;
	_ =	strace $0x90000046  }
0xb4: {  	s29 =	simm.s32 $0x9;
	_ =	strace $0x80000048  }
0xb5: {  	_ =	swait.ge [sflag:s29], $0x1  }
0xb6: {  	[sflag:s29] =	ssyncadd.s32 $0xFFFFFFFF  }
0xb7: {  	_ =	strace $0x90000048  }
0xb8: {  	_ =	sfence  }
0xb9: {  	s30 =	sld [smem:$0x0];
	_ =	sdelay $0x2  }
0xba: {  	s31 =	sshll.u32 s1, $0xD;
	s1 =	sshrl.u32 s1, $0x2  }
0xbb: {  	s3 =	sand.u32 $0x4000, s31;
	s1 =	sadd.s32 s1, s30  }
0xbc: {  	s0 =	sor.u32 s3, s0;
	s1 =	sshll.u32 s1, $0x11  }
0xbd: {  	s0 =	sor.u32 s1, s0  }
0xbe: {  	s0 =	sadd.s32 $0x8F2B, s0  }
0xbf: {  	[sflag:s0] =	ssyncadd.remote.s32 $0x1  }
0xc0: {  	_ =	sfence.sel $0xFFFF  }
0xc1: {  	[dreg:$0x0] =	wrdreg $0xFFFFFFFF;
	(pc) =	sbr.abs _section_cstart, $3  }
0xc2: {  	[dreg:$0x1] =	wrdreg $0xFFFFFFFF  }
0xc3: {  	_ =	task.clear_ibuf [dreg:s8], $0x2FFFF;
	_ =	strace $0x9FFFFFFF  }
0xc4: {  	(tm) =	ssettm $0x7FFFFFFF  }
0xc5: {  	_ =	shalt  }
tec
execute0_lowered:
.L_overlay_start_1:
0x0: {  	(tag) =	ssettag $0x1  }
0x1: {  	s9 =	rddreg [dreg:$0x0]  }
0x2: {  	s1 =	rddreg [dreg:$0x1]  }
0x3: {  	s2 =	rddreg [dreg:$0x2]  }
0x4: {  	s0 =	rddreg [dreg:$0x3];
	s3 =	simm.s32 $0x0  }
0x5: {  	s8 =	srdreg.scid;
	s4 =	stileid.u32;
	s13 =	simm.s32 $0x1880  }
0x6: {  	s14 =	simm.s32 $0x80;
	s15 =	simm.s32 $0x1;
	s16 =	simm.s32 $0x880  }
0x7: {  	s17 =	simm.s32 $0x1080;
	s18 =	simm.s32 $0x2;
	s19 =	simm.s32 $0x3  }
0x8: {  	s20 =	simm.s32 $0x0;
	[smem:$0x7FF] =	sst s3;
	s5 =	sadd.s32 $0x1AA00, s9  }
.Ltmp0:
0x9: {  	s7 =	sand.u32 $0x1, s8;
	s6 =	sadd.s32 $0x2200, s9;
	(pc) =	sbr.rel .LBB2_1-.Ltmp0, $4  }
0xa: {  	s12 =	sadd.s32 s8, s4;
	s8 =	sadd.s32 $0x1B000, s9;
	s10 =	ssub.s32 $0x2, s7  }
0xb: {  	_ =	strace $0x80000047;
	s7 =	sadd.s32 $0x25000, s9;
	s11 =	sshrl.u32 s10, $0x1  }
0xc: {  	s31 =	sshll.u32 s12, $0x4;
	s9 =	sadd.s32 $0x20000, s9;
	s11 =	ssub.s32 s10, s11  }
0xd: {  	s12 =	simm.s32 $0x4;
	s10 =	sand.u32 $0x10, s31;
	s11 =	smax.u32 s11, $0x1  }
.LBB2_7:
0xe: {  	s20 =	sadd.s32 $0x1, s20  }
0xf: {  	p0 =	sne.s32 s20, s11  }
.Ltmp1:
0x10: {  	_ = 	snop;
	(pc) =	sbr.rel @!p0 .LBB2_8-.Ltmp1, $1  }
0x11: {  	_ =	sdelay $0x3  }
.LBB2_1:
.Ltmp2:
0x12: {  	(pc) =	sbr.rel .LBB2_2-.Ltmp2, $2  }
0x13: {  	_ =	sdelay $0x2  }
0x14: {  	s21 =	simm.s32 $0x0  }
.LBB2_6:
0x15: {  	s21 =	sadd.s32 $0x1, s21  }
0x16: {  	p0 =	sne.s32 s21, $0x3  }
.Ltmp3:
0x17: {  	_ = 	snop;
	(pc) =	sbr.rel @!p0 .LBB2_7-.Ltmp3, $1  }
0x18: {  	_ =	sdelay $0x3  }
.LBB2_2:
0x19: {  	s22 =	sshll.u32 s21, $0x5  }
0x1a: {  	s22 =	sor.u32 s22, s10  }
0x1b: {  	s22 =	sor.u32 s4, s22  }
0x1c: {  	p0 =	sgt.u32 s22, $0x4E  }
.Ltmp4:
0x1d: {  	_ = 	snop;
	(pc) =	sbr.rel @p0 .LBB2_6-.Ltmp4, $1  }
0x1e: {  	_ =	sdelay $0x3  }
0x1f: {  	s23 =	sshll.u32 s22, $0x4  }
0x20: {  	s24 =	simm.s32 $0x0;
	s23 =	sadd.s32 s5, s23  }
0x21: {  	[tilespmem:s24], [sflag:$0x4] =	stream.linear.gather [hbm4b:s23+s24], $0x80, $0x38;
	[tilespmem:$0x5880] =	vst v63  }
0x22: {  	_ =	swait.ge [sflag:s12], $0x80  }
0x23: {  	[sflag:s12] =	ssyncset.done $0x0  }
0x24: {  	s23 =	simm.s32 $0x80;
	[sflag:s12] =	ssyncadd.s32 $0xFFFFFF80  }
0x25: {  	[tilespmem:s13], [sflag:$0x2] =	stream.indirect.gather [hbm4b:s2+s23], $0x80, s24, s23, $0xb8;
	[tilespmem:$0x5880] =	vst v63  }
0x26: {  	v0 =	vld [tilespmem:$0x0];
	_ =	sdelay $0x4  }
0x27: {  	v0 =	vadd.s32 s24, v0  }
0x28: {  	[tilespmem:s23+$0x0] =	vst v0  }
0x29: {  	v0 =	vld [tilespmem:$0x10];
	_ =	sdelay $0x4  }
0x2a: {  	v0 =	vadd.s32 s24, v0  }
0x2b: {  	[tilespmem:s23+$0x10] =	vst v0  }
0x2c: {  	v0 =	vld [tilespmem:$0x20];
	_ =	sdelay $0x4  }
0x2d: {  	v0 =	vadd.s32 s24, v0  }
0x2e: {  	[tilespmem:s23+$0x20] =	vst v0  }
0x2f: {  	v0 =	vld [tilespmem:$0x30];
	_ =	sdelay $0x4  }
0x30: {  	v0 =	vadd.s32 s24, v0  }
0x31: {  	[tilespmem:s23+$0x30] =	vst v0  }
0x32: {  	v0 =	vld [tilespmem:$0x40];
	_ =	sdelay $0x4  }
0x33: {  	v0 =	vadd.s32 s24, v0  }
0x34: {  	[tilespmem:s23+$0x40] =	vst v0  }
0x35: {  	v0 =	vld [tilespmem:$0x50];
	_ =	sdelay $0x4  }
0x36: {  	v0 =	vadd.s32 s24, v0  }
0x37: {  	[tilespmem:s23+$0x50] =	vst v0  }
0x38: {  	v0 =	vld [tilespmem:$0x60];
	_ =	sdelay $0x4  }
0x39: {  	v0 =	vadd.s32 s24, v0  }
0x3a: {  	[tilespmem:s23+$0x60] =	vst v0  }
0x3b: {  	v0 =	vld [tilespmem:$0x70];
	_ =	sdelay $0x4  }
0x3c: {  	s31 =	simm.s32 $0x880;
	s29 =	simm.s32 $0x1080;
	s25 =	simm.s32 $0x900;
	v0 =	vadd.s32 s24, v0  }
0x3d: {  	s26 =	simm.s32 $0x100;
	s28 =	simm.s32 $0x1100;
	s24 =	simm.s32 $0xC350;
	[tilespmem:s23+$0x70] =	vst v0  }
0x3e: {  	[tilespmem:s31], [sflag:$0x1] =	stream.indirect.gather [hbm4b:s1+s14], $0x1, s23, s14, $0xb8;
	[tilespmem:$0x5880] =	vst v63  }
.LBB2_4:
0x3f: {  	[tilespmem:s29], [sflag:$0x1] =	stream.indirect.gather [hbm4b:s6+s14], $0x1, s23, s14, $0xb8;
	[tilespmem:$0x5880] =	vst v63  }
0x40: {  	p0 =	sne.s32 s24, $0xB71B0;
	s30 =	smov.u32 s24;
	s24 =	sadd.s32 $0xC350, s24;
	v0 =	vld [tilespmem:$0x0]  }
0x41: {  	s23 =	smov.u32 s26;
	s29 =	smov.u32 s28;
	_ =	sdelay $0x3  }
0x42: {  	v0 =	vadd.s32 s30, v0  }
0x43: {  	[tilespmem:s26+$0x0] =	vst v0  }
0x44: {  	v0 =	vld [tilespmem:$0x10];
	_ =	sdelay $0x4  }
0x45: {  	v0 =	vadd.s32 s30, v0  }
0x46: {  	[tilespmem:s26+$0x10] =	vst v0  }
0x47: {  	v0 =	vld [tilespmem:$0x20];
	_ =	sdelay $0x4  }
0x48: {  	v0 =	vadd.s32 s30, v0  }
0x49: {  	[tilespmem:s26+$0x20] =	vst v0  }
0x4a: {  	v0 =	vld [tilespmem:$0x30];
	_ =	sdelay $0x4  }
0x4b: {  	v0 =	vadd.s32 s30, v0  }
0x4c: {  	[tilespmem:s26+$0x30] =	vst v0  }
0x4d: {  	v0 =	vld [tilespmem:$0x40];
	_ =	sdelay $0x4  }
0x4e: {  	v0 =	vadd.s32 s30, v0  }
0x4f: {  	[tilespmem:s26+$0x40] =	vst v0  }
0x50: {  	v0 =	vld [tilespmem:$0x50];
	_ =	sdelay $0x4  }
0x51: {  	v0 =	vadd.s32 s30, v0  }
0x52: {  	[tilespmem:s26+$0x50] =	vst v0  }
0x53: {  	v0 =	vld [tilespmem:$0x60];
	_ =	sdelay $0x4  }
0x54: {  	v0 =	vadd.s32 s30, v0  }
0x55: {  	[tilespmem:s26+$0x60] =	vst v0  }
0x56: {  	v0 =	vld [tilespmem:$0x70];
	_ =	sdelay $0x3  }
.Ltmp5:
0x57: {  	(pc) =	sbr.rel @p0 .LBB2_4-.Ltmp5, $4  }
0x58: {  	v0 =	vadd.s32 s30, v0  }
0x59: {  	[tilespmem:s26+$0x70] =	vst v0  }
0x5a: {  	[tilespmem:s25], [sflag:$0x1] =	stream.indirect.gather [hbm4b:s1+s14], $0x1, s26, s14, $0xb8;
	[tilespmem:$0x5880] =	vst v63  }
0x5b: {  	s28 =	sadd.s32 $0x80, s28;
	s25 =	sadd.s32 $0x80, s25;
	s26 =	sadd.s32 $0x80, s26  }
0x5c: {  	[tilespmem:s29], [sflag:$0x1] =	stream.indirect.gather [hbm4b:s6+s14], $0x1, s23, s14, $0xb8;
	[tilespmem:$0x5880] =	vst v63  }
0x5d: {  	_ =	swait.ge [sflag:s15], $0x80  }
0x5e: {  	[sflag:s15] =	ssyncset.done $0x0  }
0x5f: {  	[sflag:s15] =	ssyncadd.s32 $0xFFFFFF80  }
0x60: {  	_ =	swait.ge [sflag:s15], $0x80  }
0x61: {  	[sflag:s15] =	ssyncset.done $0x0  }
0x62: {  	[sflag:s15] =	ssyncadd.s32 $0xFFFFFF80  }
0x63: {  	_ =	swait.ge [sflag:s15], $0x80  }
0x64: {  	[sflag:s15] =	ssyncset.done $0x0  }
0x65: {  	[sflag:s15] =	ssyncadd.s32 $0xFFFFFF80  }
0x66: {  	_ =	swait.ge [sflag:s15], $0x80  }
0x67: {  	[sflag:s15] =	ssyncset.done $0x0  }
0x68: {  	[sflag:s15] =	ssyncadd.s32 $0xFFFFFF80  }
0x69: {  	_ =	swait.ge [sflag:s15], $0x80  }
0x6a: {  	[sflag:s15] =	ssyncset.done $0x0  }
0x6b: {  	[sflag:s15] =	ssyncadd.s32 $0xFFFFFF80  }
0x6c: {  	_ =	swait.ge [sflag:s15], $0x80  }
0x6d: {  	[sflag:s15] =	ssyncset.done $0x0  }
0x6e: {  	[sflag:s15] =	ssyncadd.s32 $0xFFFFFF80  }
0x6f: {  	_ =	swait.ge [sflag:s15], $0x80  }
0x70: {  	[sflag:s15] =	ssyncset.done $0x0  }
0x71: {  	[sflag:s15] =	ssyncadd.s32 $0xFFFFFF80  }
0x72: {  	_ =	swait.ge [sflag:s15], $0x80  }
0x73: {  	[sflag:s15] =	ssyncset.done $0x0  }
0x74: {  	[sflag:s15] =	ssyncadd.s32 $0xFFFFFF80  }
0x75: {  	_ =	swait.ge [sflag:s15], $0x80  }
0x76: {  	[sflag:s15] =	ssyncset.done $0x0  }
0x77: {  	[sflag:s15] =	ssyncadd.s32 $0xFFFFFF80  }
0x78: {  	_ =	swait.ge [sflag:s15], $0x80  }
0x79: {  	[sflag:s15] =	ssyncset.done $0x0  }
0x7a: {  	[sflag:s15] =	ssyncadd.s32 $0xFFFFFF80  }
0x7b: {  	_ =	swait.ge [sflag:s15], $0x80  }
0x7c: {  	[sflag:s15] =	ssyncset.done $0x0  }
0x7d: {  	[sflag:s15] =	ssyncadd.s32 $0xFFFFFF80  }
0x7e: {  	_ =	swait.ge [sflag:s15], $0x80  }
0x7f: {  	[sflag:s15] =	ssyncset.done $0x0  }
0x80: {  	[sflag:s15] =	ssyncadd.s32 $0xFFFFFF80  }
0x81: {  	_ =	swait.ge [sflag:s15], $0x80  }
0x82: {  	[sflag:s15] =	ssyncset.done $0x0  }
0x83: {  	[sflag:s15] =	ssyncadd.s32 $0xFFFFFF80  }
0x84: {  	_ =	swait.ge [sflag:s15], $0x80  }
0x85: {  	[sflag:s15] =	ssyncset.done $0x0  }
0x86: {  	[sflag:s15] =	ssyncadd.s32 $0xFFFFFF80  }
0x87: {  	_ =	swait.ge [sflag:s15], $0x80  }
0x88: {  	[sflag:s15] =	ssyncset.done $0x0  }
0x89: {  	[sflag:s15] =	ssyncadd.s32 $0xFFFFFF80  }
0x8a: {  	_ =	swait.ge [sflag:s15], $0x80  }
0x8b: {  	[sflag:s15] =	ssyncset.done $0x0  }
0x8c: {  	[sflag:s15] =	ssyncadd.s32 $0xFFFFFF80  }
0x8d: {  	_ =	swait.ge [sflag:s15], $0x80  }
0x8e: {  	[sflag:s15] =	ssyncset.done $0x0  }
0x8f: {  	[sflag:s15] =	ssyncadd.s32 $0xFFFFFF80  }
0x90: {  	_ =	swait.ge [sflag:s15], $0x80  }
0x91: {  	[sflag:s15] =	ssyncset.done $0x0  }
0x92: {  	[sflag:s15] =	ssyncadd.s32 $0xFFFFFF80  }
0x93: {  	_ =	swait.ge [sflag:s15], $0x80  }
0x94: {  	[sflag:s15] =	ssyncset.done $0x0  }
0x95: {  	[sflag:s15] =	ssyncadd.s32 $0xFFFFFF80  }
0x96: {  	_ =	swait.ge [sflag:s15], $0x80  }
0x97: {  	[sflag:s15] =	ssyncset.done $0x0  }
0x98: {  	[sflag:s15] =	ssyncadd.s32 $0xFFFFFF80  }
0x99: {  	_ =	swait.ge [sflag:s15], $0x80  }
0x9a: {  	[sflag:s15] =	ssyncset.done $0x0  }
0x9b: {  	[sflag:s15] =	ssyncadd.s32 $0xFFFFFF80  }
0x9c: {  	_ =	swait.ge [sflag:s15], $0x80  }
0x9d: {  	[sflag:s15] =	ssyncset.done $0x0  }
0x9e: {  	[sflag:s15] =	ssyncadd.s32 $0xFFFFFF80  }
0x9f: {  	_ =	swait.ge [sflag:s15], $0x80  }
0xa0: {  	[sflag:s15] =	ssyncset.done $0x0  }
0xa1: {  	[sflag:s15] =	ssyncadd.s32 $0xFFFFFF80  }
0xa2: {  	_ =	swait.ge [sflag:s15], $0x80  }
0xa3: {  	[sflag:s15] =	ssyncset.done $0x0  }
0xa4: {  	[sflag:s15] =	ssyncadd.s32 $0xFFFFFF80  }
0xa5: {  	_ =	swait.ge [sflag:s15], $0x80  }
0xa6: {  	[sflag:s15] =	ssyncset.done $0x0  }
0xa7: {  	[sflag:s15] =	ssyncadd.s32 $0xFFFFFF80  }
0xa8: {  	_ =	swait.ge [sflag:s15], $0x80  }
0xa9: {  	[sflag:s15] =	ssyncset.done $0x0  }
0xaa: {  	[sflag:s15] =	ssyncadd.s32 $0xFFFFFF80  }
0xab: {  	_ =	swait.ge [sflag:s15], $0x80  }
0xac: {  	[sflag:s15] =	ssyncset.done $0x0  }
0xad: {  	[sflag:s15] =	ssyncadd.s32 $0xFFFFFF80  }
0xae: {  	_ =	swait.ge [sflag:s15], $0x80  }
0xaf: {  	[sflag:s15] =	ssyncset.done $0x0  }
0xb0: {  	[sflag:s15] =	ssyncadd.s32 $0xFFFFFF80  }
0xb1: {  	_ =	swait.ge [sflag:s15], $0x80  }
0xb2: {  	[sflag:s15] =	ssyncset.done $0x0  }
0xb3: {  	[sflag:s15] =	ssyncadd.s32 $0xFFFFFF80  }
0xb4: {  	_ =	swait.ge [sflag:s15], $0x80  }
0xb5: {  	[sflag:s15] =	ssyncset.done $0x0  }
0xb6: {  	[sflag:s15] =	ssyncadd.s32 $0xFFFFFF80  }
0xb7: {  	_ =	swait.ge [sflag:s15], $0x80  }
0xb8: {  	[sflag:s15] =	ssyncset.done $0x0  }
0xb9: {  	[sflag:s15] =	ssyncadd.s32 $0xFFFFFF80  }
0xba: {  	_ =	swait.ge [sflag:s15], $0x80  }
0xbb: {  	s30 =	sshll.u32 s22, $0x8;
	[sflag:s15] =	ssyncset.done $0x0  }
0xbc: {  	s24 =	sadd.s32 s8, s30;
	[sflag:s15] =	ssyncadd.s32 $0xFFFFFF80  }
0xbd: {  	[hbm4b:s24+s3] =	stream.linear.scatter [tilespmem:s16], [sflag:$0x4], $0x800, $0x38;
	[tilespmem:$0x5880] =	vst v63  }
0xbe: {  	_ =	swait.ge [sflag:s12], $0x800  }
0xbf: {  	[sflag:s12] =	ssyncset.done $0x0  }
0xc0: {  	s23 =	sadd.s32 s9, s30;
	[sflag:s12] =	ssyncadd.s32 $0xFFFFF800  }
0xc1: {  	[hbm4b:s23+s3] =	stream.linear.scatter [tilespmem:s17], [sflag:$0x4], $0x800, $0x38;
	[tilespmem:$0x5880] =	vst v63  }
0xc2: {  	_ =	swait.ge [sflag:s12], $0x800  }
0xc3: {  	[sflag:s12] =	ssyncset.done $0x0  }
0xc4: {  	[sflag:s12] =	ssyncadd.s32 $0xFFFFF800  }
0xc5: {  	_ =	swait.ge [sflag:s18], $0x4000  }
0xc6: {  	s31 =	sshll.u32 s22, $0xB;
	[sflag:s18] =	ssyncset.done $0x0  }
.Ltmp6:
0xc7: {  	s22 =	sadd.s32 s7, s31;
	[sflag:s18] =	ssyncadd.s32 $0xFFFFC000;
	(pc) =	sbr.rel .LBB2_6-.Ltmp6, $4  }
0xc8: {  	[hbm4b:s22+s3] =	stream.linear.scatter [tilespmem:s13], [sflag:$0x3], $0x4000, $0x38;
	[tilespmem:$0x5880] =	vst v63  }
0xc9: {  	_ =	swait.ge [sflag:s19], $0x4000  }
0xca: {  	[sflag:s19] =	ssyncset.done $0x0  }
0xcb: {  	[sflag:s19] =	ssyncadd.s32 $0xFFFFC000  }
.LBB2_8:
0xcc: {  	_ =	sfence.sel $0x180000  }
0xcd: {  	[bflag:$0x0] =	sbarrier.arrive $0xFFFF  }
0xce: {  	p0 =	sne.s32 s4, $0x0;
	_ =	strace $0x90000047  }
0xcf: {  	s0 =	sadd.s32 @!p0 $0x100000, s0;
	[bflag:$0x2] =	sbarrier.arrive $0xFFFF  }
0xd0: {  	[sflag:s0] =	ssyncadd.tile.s32 @!p0 $0x1;
	_ =	shalt  }
.Lfunc_end2:
_tile_overlayer_lowered:
.L_overlay_start_2:
0xd1: {  	(tag) =	ssettag $0x2  }
0xd2: {  	s0 =	rddreg [dreg:$0x0];
	s2 =	stileid.u32  }
0xd3: {  	s1 =	rddreg [dreg:$0x1];
	p0 =	sne.s32 s2, $0x0  }
0xd4: {  	s3 =	rddreg [dreg:$0x2];
	[bflag:$0x3] =	sbarrier.arrive $0xFFFF;
	s2 =	simm.s32 @!p0 $0x1C03  }
0xd5: {  	[timem:s3], [sflag:s2] =	dma.local @!p0 [hbm:s0], s1  }
0xd6: {  	s0 =	simm.s32 @!p0 $0x3  }
0xd7: {  	_ =	swait.ge @!p0 [sflag:s0], s1  }
0xd8: {  	s1 =	ssub.s32 @!p0 $0x0, s1;
	[sflag:s0] =	ssyncset.done @!p0 $0x0  }
0xd9: {  	[sflag:s0] =	ssyncadd.s32 @!p0 s1  }
0xda: {  	[bflag:$0x3] =	sbarrier.arrive $0xFFFF  }
0xdb: {  	_ =	shalt  }

// kernel: kernel.9.cloned.1.call-start
scs
__scs_entry_jumppad:
0x0: {  	(pc) =	sbr.rel $0x88, $3  }
0x1: {  	(tag) =	ssettag $0x0;
	lr =	simm.s32 $0x1  }
0x2: {  	[smem:$0x3F95] =	sst lr;
	_ =	strace $0xD0000000  }
0x3: {  	_ = 	snop  }
0x4: {  	_ = 	snop  }
0x5: {  	_ = 	snop  }
0x6: {  	_ = 	snop  }
0x7: {  	_ = 	snop  }
__scs_overlays_trampoline_lowered:
0x8: {  	[smem:$0x3FA4] =	sst s0  }
0x9: {  	[smem:$0x3FA5] =	sst s1  }
0xa: {  	[smem:$0x3FA6] =	sst s2  }
0xb: {  	[smem:$0x3FA7] =	sst s3  }
0xc: {  	[smem:$0x3FA8] =	sst s4  }
0xd: {  	[smem:$0x3FA9] =	sst s5  }
0xe: {  	[smem:$0x3FAA] =	sst s6  }
0xf: {  	[smem:$0x3FAB] =	sst s7  }
0x10: {  	[smem:$0x3FAC] =	sst s8  }
0x11: {  	[smem:$0x3FAD] =	sst s9;
	s0 =	simm.s32 @!p0 $0x0  }
0x12: {  	s1 =	sld [smem:$0x3F93];
	s0 =	simm.s32 @p0 $0x1  }
0x13: {  	[smem:$0x3FAE] =	sst s0;
	s0 =	simm.s32 @!p1 $0x0  }
0x14: {  	s2 =	sld [smem:$0x3F92];
	s0 =	simm.s32 @p1 $0x1  }
0x15: {  	[smem:$0x3FAF] =	sst s0;
	s0 =	simm.s32 @!p2 $0x0  }
0x16: {  	s3 =	sld [smem:$0x3FDB];
	s0 =	simm.s32 @p2 $0x1  }
0x17: {  	s4 =	simm.s32 $0x1BF5;
	[smem:$0x3FB1] =	sst s0  }
0x18: {  	s0 =	sld [smem:$0x3F94];
	_ =	swait.ge [sflag:s4], $0x0  }
0x19: {  	s7 =	sld [smem:$0x3F95]  }
0x1a: {  	s8 =	sadd.s32 $0xFFFFE003, lr  }
0x1b: {  	s9 =	sadd.s32 $0xFFFFFEF7, lr;
	s5 =	simm.s32 $0xFFFFFFFF;
	p2 =	slt.u32 s8, $0xFFFFF086  }
0x1c: {  	p1 =	slt.u32 s9, $0xF7A;
	s5 =	simm.s32 @!p2 $0x0  }
0x1d: {  	s5 =	simm.s32 @p1 $0x1;
	p0 =	seq.s32 s7, s2  }
0x1e: {  	s7 =	smul.u32 @!p0 $0xF7A, s2;
	p2 =	seq.s32 @!p0 s5, $0x0  }
0x1f: {  	s9 =	smul.u32 $0xF7A, s1;
	s8 =	simm.s32 @!p0 $0x1BF5;
	p2 =	por !p2, p0  }
0x20: {  	[sflag:s8] =	ssyncset.s32 @!p0 $0xFFFFF086;
	s6 =	sadd.s32 @!p0 s3, s7;
	s7 =	simm.s32 @!p0 $0x108  }
0x21: {  	s3 =	sadd.s32 s3, s9;
	s6 =	sadd.s32 @!p0 $0x88, s6;
	s7 =	simm.s32 @p2 $0x1082  }
0x22: {  	[simem:s7], [sflag:s8] =	dma.local @!p0 [hbm:s6], $0xF7A  }
0x23: {  	s9 =	sor.u32 $0xD0000000, s2;
	s6 =	simm.s32 $0x108;
	_ =	swait.ge @!p0 [sflag:s8], $0x0  }
0x24: {  	s3 =	sadd.s32 $0x88, s3;
	s6 =	simm.s32 @!p1 $0x1082;
	[sflag:s4] =	ssyncset.s32 $0xFFFFF086  }
0x25: {  	[simem:s6], [sflag:s4] =	dma.local [hbm:s3], $0xF7A  }
0x26: {  	[smem:$0x3F95] =	sst s1;
	(tag) =	ssettag s2;
	_ =	strace s9  }
0x27: {  	s1 =	sld [smem:$0x3FA5]  }
0x28: {  	s2 =	sld [smem:$0x3FA6]  }
0x29: {  	s4 =	sld [smem:$0x3FA8]  }
0x2a: {  	p0 =	seq.s32 s5, $0x0;
	s5 =	sld [smem:$0x3FA9]  }
0x2b: {  	s6 =	sld [smem:$0x3FAA]  }
0x2c: {  	s7 =	sld [smem:$0x3FAB]  }
0x2d: {  	s3 =	simm.s32 $0x108;
	s8 =	sld [smem:$0x3FAC]  }
0x2e: {  	s3 =	simm.s32 @!p0 $0x1082;
	s9 =	sld [smem:$0x3FAD]  }
0x2f: {  	lr =	sadd.s32 s0, s3;
	s0 =	sld [smem:$0x3FA4]  }
0x30: {  	s3 =	sld [smem:$0x3FA7]  }
0x31: {  	[smem:$0x3FB0] =	sst s10  }
0x32: {  	s10 =	sld [smem:$0x3FAE];
	_ =	sdelay $0x3  }
0x33: {  	p0 =	seq.s32 s10, $0x1;
	s10 =	sld [smem:$0x3FB0];
	_ =	sdelay $0x3  }
0x34: {  	[smem:$0x3FB0] =	sst s10  }
0x35: {  	s10 =	sld [smem:$0x3FAF];
	_ =	sdelay $0x3  }
0x36: {  	p1 =	seq.s32 s10, $0x1;
	s10 =	sld [smem:$0x3FB0];
	_ =	sdelay $0x3  }
0x37: {  	[smem:$0x3FB0] =	sst s10  }
0x38: {  	s10 =	sld [smem:$0x3FB1]  }
0x39: {  	_ = 	snop;
	(pc) =	sbr.ind lr, $3  }
0x3a: {  	_ = 	snop  }
0x3b: {  	_ = 	snop  }
0x3c: {  	p2 =	seq.s32 s10, $0x1;
	s10 =	sld [smem:$0x3FB0]  }
0x3d: {  	_ =	shalt  }
0x3e: {  	_ =	shalt  }
0x3f: {  	_ =	shalt  }
0x40: {  	_ =	shalt  }
0x41: {  	_ =	shalt  }
0x42: {  	_ =	shalt  }
0x43: {  	_ =	shalt  }
0x44: {  	_ =	shalt  }
0x45: {  	_ =	shalt  }
0x46: {  	_ =	shalt  }
0x47: {  	_ =	shalt  }
0x48: {  	_ =	shalt  }
0x49: {  	_ =	shalt  }
0x4a: {  	_ =	shalt  }
0x4b: {  	_ =	shalt  }
0x4c: {  	_ =	shalt  }
0x4d: {  	_ =	shalt  }
0x4e: {  	_ =	shalt  }
0x4f: {  	_ =	shalt  }
0x50: {  	_ =	shalt  }
0x51: {  	_ =	shalt  }
0x52: {  	_ =	shalt  }
0x53: {  	_ =	shalt  }
0x54: {  	_ =	shalt  }
0x55: {  	_ =	shalt  }
0x56: {  	_ =	shalt  }
0x57: {  	_ =	shalt  }
0x58: {  	_ =	shalt  }
0x59: {  	_ =	shalt  }
0x5a: {  	_ =	shalt  }
0x5b: {  	_ =	shalt  }
0x5c: {  	_ =	shalt  }
0x5d: {  	_ =	shalt  }
0x5e: {  	_ =	shalt  }
0x5f: {  	_ =	shalt  }
0x60: {  	_ =	shalt  }
0x61: {  	_ =	shalt  }
0x62: {  	_ =	shalt  }
0x63: {  	_ =	shalt  }
0x64: {  	_ =	shalt  }
0x65: {  	_ =	shalt  }
0x66: {  	_ =	shalt  }
0x67: {  	_ =	shalt  }
0x68: {  	_ =	shalt  }
0x69: {  	_ =	shalt  }
0x6a: {  	_ =	shalt  }
0x6b: {  	_ =	shalt  }
0x6c: {  	_ =	shalt  }
0x6d: {  	_ =	shalt  }
0x6e: {  	_ =	shalt  }
0x6f: {  	_ =	shalt  }
0x70: {  	_ =	shalt  }
0x71: {  	_ =	shalt  }
0x72: {  	_ =	shalt  }
0x73: {  	_ =	shalt  }
0x74: {  	_ =	shalt  }
0x75: {  	_ =	shalt  }
0x76: {  	_ =	shalt  }
0x77: {  	_ =	shalt  }
0x78: {  	_ =	shalt  }
0x79: {  	_ =	shalt  }
0x7a: {  	_ =	shalt  }
0x7b: {  	_ =	shalt  }
0x7c: {  	_ =	shalt  }
0x7d: {  	_ =	shalt  }
0x7e: {  	_ =	shalt  }
0x7f: {  	_ =	shalt  }
0x80: {  	_ =	shalt  }
0x81: {  	_ =	shalt  }
0x82: {  	_ =	shalt  }
0x83: {  	_ =	shalt  }
0x84: {  	_ =	shalt  }
0x85: {  	_ =	shalt  }
0x86: {  	_ =	shalt  }
0x87: {  	_ =	shalt  }
.Lfunc_end0:
.L_simem_size_0:
called_computation.1_lowered:
.L_overlay_start_0:
0x88: {  	s2 =	sld [smem:$0x3FD9]  }
0x89: {  	s3 =	sld [smem:$0x3FFE];
	_ =	sdelay $0x1  }
0x8a: {  	s1 =	srdreg.scid  }
0x8b: {  	s0 =	sand.u32 $0x1, s1  }
0x8c: {  	s16 =	sshll.u32 s0, $0xA;
	s2 =	sadd.s32 s3, s2  }
0x8d: {  	s2 =	sadd.s32 s2, s16  }
0x8e: {  	[smem:$0x3FBC] =	sst s2  }
0x8f: {  	_ = 	snop  }
0x90: {  	(tm) =	ssettm $0x1  }
0x91: {  	s17 =	sld [smem:$0x3FFB];
	_ =	sdelay $0x3  }
0x92: {  	_ =	strace s17  }
0x93: {  	s2 =	sld [smem:$0x3FFC];
	_ =	sdelay $0x3  }
0x94: {  	_ =	strace s2  }
0x95: {  	s2 =	sld [smem:$0x3FFD];
	_ =	sdelay $0x3  }
0x96: {  	_ =	strace s2  }
0x97: {  	_ =	strace $0x8FFFFFFF  }
0x98: {  	s18 =	sld [smem:$0x3FDB];
	_ =	sdelay $0x1  }
0x99: {  	s19 =	simm.s32 $_scs_section_size  }
0x9a: {  	s4 =	simm.s32 $_size__tile_overlayer_lowered;
	s5 =	simm.s32 $_tile_overlayer_lowered  }
0x9b: {  	s22 =	simm.s32 $0x1BFF;
	s21 =	sshll.u32 s5, $0x1;
	s2 =	sadd.s32 s19, s18  }
0x9c: {  	s6 =	simm.s32 $0x0;
	s20 =	sshll.u32 s4, $0x1;
	s4 =	sadd.s32 s21, s2  }
0x9d: {  	[timem:s6], [sflag:s22] =	dma.local [hbm:s4], s20  }
0x9e: {  	_ =	swait.ge [sflag:s22], s20  }
0x9f: {  	s3 =	ssub.s32 $0x0, s20;
	[sflag:s22] =	ssyncset.done $0x0  }
0xa0: {  	[sflag:s22] =	ssyncadd.s32 s3;
	_ =	sdelay $0x1  }
0xa1: {  	s23 =	simm.s32 $0x1B8B  }
0xa2: {  	_ =	swait.ge [sflag:s23], $0x1  }
0xa3: {  	[sflag:s23] =	ssyncset.done $0x0  }
0xa4: {  	s25 =	simm.s32 $0x1B8E;
	s24 =	sld [smem:$0x3FFE];
	[sflag:s23] =	ssyncadd.s32 $0xFFFFFFFF  }
0xa5: {  	s26 =	simm.s32 $execute0_lowered;
	[smem:$0x3FD2] =	sst s25  }
0xa6: {  	s4 =	sshll.u32 s26, $0x1;
	_ =	strace $0x80000049;
	[dreg:$0x1] =	wrdreg $0xFFFFFFFF  }
0xa7: {  	s28 =	simm.s32 $_size_execute0_lowered;
	s2 =	sadd.s32 s2, s4;
	[dreg:$0x0] =	wrdreg $0x0  }
0xa8: {  	s4 =	sshll.u32 s28, $0x1;
	[dreg:$0x2] =	wrdreg s2  }
0xa9: {  	[dreg:$0x3] =	wrdreg s4  }
0xaa: {  	[dreg:$0x4] =	wrdreg $0xC0  }
0xab: {  	_ =	task [dreg:s6], $0x5FFFF  }
0xac: {  	[dreg:$0x1] =	wrdreg $0xFFFFFFFF  }
0xad: {  	[dreg:$0x0] =	wrdreg $0x60  }
0xae: {  	[dreg:$0x2] =	wrdreg s24  }
0xaf: {  	[dreg:$0x3] =	wrdreg $0x9  }
0xb0: {  	_ =	task.clear_ibuf [dreg:s6], $0x4FFFF;
	_ =	strace $0x90000049  }
0xb1: {  	s29 =	simm.s32 $0x9;
	_ =	strace $0x8000004B  }
0xb2: {  	_ =	swait.ge [sflag:s29], $0x1  }
0xb3: {  	[sflag:s29] =	ssyncadd.s32 $0xFFFFFFFF  }
0xb4: {  	_ =	strace $0x9000004B  }
0xb5: {  	_ =	sfence  }
0xb6: {  	s30 =	sld [smem:$0x0];
	_ =	sdelay $0x2  }
0xb7: {  	s31 =	sshll.u32 s1, $0xD;
	s1 =	sshrl.u32 s1, $0x2  }
0xb8: {  	s3 =	sand.u32 $0x4000, s31;
	s1 =	sadd.s32 s1, s30  }
0xb9: {  	s0 =	sor.u32 s3, s0;
	s1 =	sshll.u32 s1, $0x11  }
0xba: {  	s0 =	sor.u32 s1, s0  }
0xbb: {  	s0 =	sadd.s32 $0x8F2B, s0  }
0xbc: {  	[sflag:s0] =	ssyncadd.remote.s32 $0x1  }
0xbd: {  	_ =	sfence.sel $0xFFFF  }
0xbe: {  	[dreg:$0x0] =	wrdreg $0xFFFFFFFF;
	(pc) =	sbr.abs _section_cstart, $3  }
0xbf: {  	[dreg:$0x1] =	wrdreg $0xFFFFFFFF  }
0xc0: {  	_ =	task.clear_ibuf [dreg:s6], $0x2FFFF;
	_ =	strace $0x9FFFFFFF  }
0xc1: {  	(tm) =	ssettm $0x7FFFFFFF  }
tec
execute0_lowered:
.L_overlay_start_1:
0x0: {  	(tag) =	ssettag $0x1  }
0x1: {  	s5 =	rddreg [dreg:$0x0]  }
0x2: {  	s2 =	simm.s32 $0x0;
	s6 =	srdreg.scid;
	s1 =	stileid.u32  }
0x3: {  	s15 =	simm.s32 $0x80;
	s16 =	simm.s32 $0x2000;
	s17 =	simm.s32 $0x6000  }
0x4: {  	s18 =	simm.s32 $0x2;
	s19 =	simm.s32 $0x3;
	s20 =	simm.s32 $0x5  }
0x5: {  	s21 =	simm.s32 $0x4;
	s22 =	simm.s32 $0x0;
	[smem:$0x7FF] =	sst s2  }
0x6: {  	s8 =	sadd.s32 $0x1B000, s5;
	s9 =	sadd.s32 $0x20000, s5;
	s7 =	sadd.s32 s6, s1  }
0x7: {  	s3 =	sadd.s32 $0x4C800, s5;
	s4 =	sadd.s32 $0x10FE00, s5;
	s6 =	sand.u32 $0x1, s6  }
0x8: {  	s30 =	sshll.u32 s1, $0x8;
	s31 =	sshll.u32 s1, $0xB;
	_ =	strace $0x8000004A  }
0x9: {  	s10 =	sshll.u32 s7, $0x4;
	s7 =	sand.u32 $0x1, s7;
	s6 =	ssub.s32 $0x2, s6  }
0xa: {  	s10 =	sand.u32 $0x10, s10;
	s11 =	sshll.u32 s7, $0xF;
	s28 =	sshrl.u32 s6, $0x1  }
0xb: {  	s14 =	sshll.u32 s7, $0xC;
	s12 =	sor.u32 s1, s10;
	s13 =	ssub.s32 s6, s28  }
0xc: {  	s26 =	sadd.s32 s11, s5;
	s29 =	sshll.u32 s12, $0x8;
	s7 =	smax.u32 s13, $0x1  }
.Ltmp0:
0xd: {  	s13 =	sadd.s32 s31, s26;
	s5 =	sadd.s32 s8, s29;
	(pc) =	sbr.rel .LBB2_1-.Ltmp0, $4  }
0xe: {  	s6 =	sadd.s32 s9, s29;
	s9 =	sadd.s32 s14, s9;
	s8 =	sadd.s32 s14, s8  }
0xf: {  	s10 =	sadd.s32 $0x1FAC00, s13;
	s9 =	sadd.s32 s30, s9;
	s11 =	sadd.s32 s30, s8  }
0x10: {  	s14 =	simm.s32 $0x1;
	s8 =	sadd.s32 $0x2000, s9;
	s9 =	sadd.s32 $0x2000, s11  }
0x11: {  	s11 =	sor.u32 $0x20, s12;
	s12 =	sadd.s32 $0x1D3400, s13;
	s13 =	simm.s32 $0x1000  }
.LBB2_5:
0x12: {  	s22 =	sadd.s32 $0x1, s22  }
0x13: {  	p0 =	sne.s32 s22, s7  }
.Ltmp1:
0x14: {  	_ = 	snop;
	(pc) =	sbr.rel @!p0 .LBB2_6-.Ltmp1, $1  }
0x15: {  	_ =	sdelay $0x3  }
.LBB2_1:
.Ltmp2:
0x16: {  	(pc) =	sbr.rel .LBB2_2-.Ltmp2, $4  }
0x17: {  	[tilespmem:s2], [sflag:$0x1] =	stream.linear.gather [hbm4b:s5+s2], $0x800, $0x38;
	[tilespmem:$0xA000] =	vst v63  }
0x18: {  	s23 =	simm.s32 $0x0;
	s24 =	smov.u32 s12  }
0x19: {  	s25 =	smov.u32 s10;
	s26 =	smov.u32 s11;
	s28 =	simm.s32 $0x0  }
0x1a: {  	[tilespmem:s13], [sflag:$0x1] =	stream.linear.gather [hbm4b:s6+s2], $0x800, $0x38;
	[tilespmem:$0xA000] =	vst v63  }
.LBB2_4:
0x1b: {  	s28 =	sadd.s32 $0x2000, s28  }
0x1c: {  	p0 =	sne.s32 s28, $0x6000  }
.Ltmp3:
0x1d: {  	_ = 	snop;
	(pc) =	sbr.rel @!p0 .LBB2_5-.Ltmp3, $3  }
0x1e: {  	_ =	sdelay $0x1  }
0x1f: {  	s26 =	sadd.s32 $0x20, s26  }
0x20: {  	s25 =	sadd.s32 $0x10000, s25;
	s24 =	sadd.s32 $0x10000, s24;
	s23 =	sadd.s32 $0x800, s23  }
.LBB2_2:
0x21: {  	s29 =	sadd.s32 $0xFFFFFFE0, s26  }
0x22: {  	p0 =	sgt.u32 s29, $0x4E  }
.Ltmp4:
0x23: {  	_ = 	snop;
	(pc) =	sbr.rel @p0 .LBB2_4-.Ltmp4, $1  }
0x24: {  	_ =	sdelay $0x3  }
0x25: {  	_ =	swait.ge [sflag:s14], $0x800  }
0x26: {  	[sflag:s14] =	ssyncset.done $0x0  }
0x27: {  	[sflag:s14] =	ssyncadd.s32 $0xFFFFF800  }
0x28: {  	_ =	swait.ge [sflag:s14], $0x800  }
0x29: {  	[sflag:s14] =	ssyncset.done $0x0  }
0x2a: {  	s29 =	sand.u32 $0x800, s23;
	[sflag:s14] =	ssyncadd.s32 $0xFFFFF800  }
0x2b: {  	[tilespmem:s16], [sflag:$0x2] =	stream.indirect.gather [hbm4b:s3+s15], $0x80, s29, s15, $0xb8;
	[tilespmem:$0xA000] =	vst v63  }
0x2c: {  	s30 =	sor.u32 $0x1000, s29  }
0x2d: {  	[tilespmem:s17], [sflag:$0x3] =	stream.indirect.gather [hbm4b:s4+s15], $0x80, s30, s15, $0xb8;
	[tilespmem:$0xA000] =	vst v63  }
0x2e: {  	_ =	swait.ge [sflag:s18], $0x4000  }
0x2f: {  	[sflag:s18] =	ssyncset.done $0x0  }
0x30: {  	[sflag:s18] =	ssyncadd.s32 $0xFFFFC000  }
0x31: {  	_ =	swait.ge [sflag:s19], $0x4000  }
0x32: {  	[sflag:s19] =	ssyncset.done $0x0  }
0x33: {  	s0 =	sor.u32 $0x80, s29;
	[sflag:s19] =	ssyncadd.s32 $0xFFFFC000  }
0x34: {  	[tilespmem:s16], [sflag:$0x2] =	stream.indirect.gather.add.f32 [hbm:s3], $0x80, s0, s15, $0xb8;
	[tilespmem:$0xA000] =	vst v63  }
0x35: {  	s31 =	sor.u32 $0x1080, s29  }
0x36: {  	[tilespmem:s17], [sflag:$0x3] =	stream.indirect.gather.add.f32 [hbm:s4], $0x80, s31, s15, $0xb8;
	[tilespmem:$0xA000] =	vst v63  }
0x37: {  	s0 =	sor.u32 $0x100, s29  }
0x38: {  	[tilespmem:s16], [sflag:$0x2] =	stream.indirect.gather.add.f32 [hbm:s3], $0x80, s0, s15, $0xb8;
	[tilespmem:$0xA000] =	vst v63  }
0x39: {  	s31 =	sor.u32 $0x1100, s29  }
0x3a: {  	[tilespmem:s17], [sflag:$0x3] =	stream.indirect.gather.add.f32 [hbm:s4], $0x80, s31, s15, $0xb8;
	[tilespmem:$0xA000] =	vst v63  }
0x3b: {  	s0 =	sor.u32 $0x180, s29  }
0x3c: {  	[tilespmem:s16], [sflag:$0x2] =	stream.indirect.gather.add.f32 [hbm:s3], $0x80, s0, s15, $0xb8;
	[tilespmem:$0xA000] =	vst v63  }
0x3d: {  	s31 =	sor.u32 $0x1180, s29  }
0x3e: {  	[tilespmem:s17], [sflag:$0x3] =	stream.indirect.gather.add.f32 [hbm:s4], $0x80, s31, s15, $0xb8;
	[tilespmem:$0xA000] =	vst v63  }
0x3f: {  	s0 =	sor.u32 $0x200, s29  }
0x40: {  	[tilespmem:s16], [sflag:$0x2] =	stream.indirect.gather.add.f32 [hbm:s3], $0x80, s0, s15, $0xb8;
	[tilespmem:$0xA000] =	vst v63  }
0x41: {  	s31 =	sor.u32 $0x1200, s29  }
0x42: {  	[tilespmem:s17], [sflag:$0x3] =	stream.indirect.gather.add.f32 [hbm:s4], $0x80, s31, s15, $0xb8;
	[tilespmem:$0xA000] =	vst v63  }
0x43: {  	s0 =	sor.u32 $0x280, s29  }
0x44: {  	[tilespmem:s16], [sflag:$0x2] =	stream.indirect.gather.add.f32 [hbm:s3], $0x80, s0, s15, $0xb8;
	[tilespmem:$0xA000] =	vst v63  }
0x45: {  	s31 =	sor.u32 $0x1280, s29  }
0x46: {  	[tilespmem:s17], [sflag:$0x3] =	stream.indirect.gather.add.f32 [hbm:s4], $0x80, s31, s15, $0xb8;
	[tilespmem:$0xA000] =	vst v63  }
0x47: {  	s0 =	sor.u32 $0x300, s29  }
0x48: {  	[tilespmem:s16], [sflag:$0x2] =	stream.indirect.gather.add.f32 [hbm:s3], $0x80, s0, s15, $0xb8;
	[tilespmem:$0xA000] =	vst v63  }
0x49: {  	s31 =	sor.u32 $0x1300, s29  }
0x4a: {  	[tilespmem:s17], [sflag:$0x3] =	stream.indirect.gather.add.f32 [hbm:s4], $0x80, s31, s15, $0xb8;
	[tilespmem:$0xA000] =	vst v63  }
0x4b: {  	s0 =	sor.u32 $0x380, s29  }
0x4c: {  	[tilespmem:s16], [sflag:$0x2] =	stream.indirect.gather.add.f32 [hbm:s3], $0x80, s0, s15, $0xb8;
	[tilespmem:$0xA000] =	vst v63  }
0x4d: {  	s31 =	sor.u32 $0x1380, s29  }
0x4e: {  	[tilespmem:s17], [sflag:$0x3] =	stream.indirect.gather.add.f32 [hbm:s4], $0x80, s31, s15, $0xb8;
	[tilespmem:$0xA000] =	vst v63  }
0x4f: {  	s0 =	sor.u32 $0x400, s29  }
0x50: {  	[tilespmem:s16], [sflag:$0x2] =	stream.indirect.gather.add.f32 [hbm:s3], $0x80, s0, s15, $0xb8;
	[tilespmem:$0xA000] =	vst v63  }
0x51: {  	s31 =	sor.u32 $0x1400, s29  }
0x52: {  	[tilespmem:s17], [sflag:$0x3] =	stream.indirect.gather.add.f32 [hbm:s4], $0x80, s31, s15, $0xb8;
	[tilespmem:$0xA000] =	vst v63  }
0x53: {  	s0 =	sor.u32 $0x480, s29  }
0x54: {  	[tilespmem:s16], [sflag:$0x2] =	stream.indirect.gather.add.f32 [hbm:s3], $0x80, s0, s15, $0xb8;
	[tilespmem:$0xA000] =	vst v63  }
0x55: {  	s31 =	sor.u32 $0x1480, s29  }
0x56: {  	[tilespmem:s17], [sflag:$0x3] =	stream.indirect.gather.add.f32 [hbm:s4], $0x80, s31, s15, $0xb8;
	[tilespmem:$0xA000] =	vst v63  }
0x57: {  	s0 =	sor.u32 $0x500, s29  }
0x58: {  	[tilespmem:s16], [sflag:$0x2] =	stream.indirect.gather.add.f32 [hbm:s3], $0x80, s0, s15, $0xb8;
	[tilespmem:$0xA000] =	vst v63  }
0x59: {  	s31 =	sor.u32 $0x1500, s29  }
0x5a: {  	[tilespmem:s17], [sflag:$0x3] =	stream.indirect.gather.add.f32 [hbm:s4], $0x80, s31, s15, $0xb8;
	[tilespmem:$0xA000] =	vst v63  }
0x5b: {  	s0 =	sor.u32 $0x580, s29  }
0x5c: {  	[tilespmem:s16], [sflag:$0x2] =	stream.indirect.gather.add.f32 [hbm:s3], $0x80, s0, s15, $0xb8;
	[tilespmem:$0xA000] =	vst v63  }
0x5d: {  	s31 =	sor.u32 $0x1580, s29  }
0x5e: {  	[tilespmem:s17], [sflag:$0x3] =	stream.indirect.gather.add.f32 [hbm:s4], $0x80, s31, s15, $0xb8;
	[tilespmem:$0xA000] =	vst v63  }
0x5f: {  	s0 =	sor.u32 $0x600, s29  }
0x60: {  	[tilespmem:s16], [sflag:$0x2] =	stream.indirect.gather.add.f32 [hbm:s3], $0x80, s0, s15, $0xb8;
	[tilespmem:$0xA000] =	vst v63  }
0x61: {  	s31 =	sor.u32 $0x1600, s29  }
0x62: {  	[tilespmem:s17], [sflag:$0x3] =	stream.indirect.gather.add.f32 [hbm:s4], $0x80, s31, s15, $0xb8;
	[tilespmem:$0xA000] =	vst v63  }
0x63: {  	s0 =	sor.u32 $0x680, s29  }
0x64: {  	[tilespmem:s16], [sflag:$0x2] =	stream.indirect.gather.add.f32 [hbm:s3], $0x80, s0, s15, $0xb8;
	[tilespmem:$0xA000] =	vst v63  }
0x65: {  	s31 =	sor.u32 $0x1680, s29  }
0x66: {  	[tilespmem:s17], [sflag:$0x3] =	stream.indirect.gather.add.f32 [hbm:s4], $0x80, s31, s15, $0xb8;
	[tilespmem:$0xA000] =	vst v63  }
0x67: {  	s0 =	sor.u32 $0x700, s29  }
0x68: {  	[tilespmem:s16], [sflag:$0x2] =	stream.indirect.gather.add.f32 [hbm:s3], $0x80, s0, s15, $0xb8;
	[tilespmem:$0xA000] =	vst v63  }
0x69: {  	s31 =	sor.u32 $0x1700, s29  }
0x6a: {  	[tilespmem:s17], [sflag:$0x3] =	stream.indirect.gather.add.f32 [hbm:s4], $0x80, s31, s15, $0xb8;
	[tilespmem:$0xA000] =	vst v63  }
0x6b: {  	s0 =	sor.u32 $0x780, s29  }
0x6c: {  	[tilespmem:s16], [sflag:$0x2] =	stream.indirect.gather.add.f32 [hbm:s3], $0x80, s0, s15, $0xb8;
	[tilespmem:$0xA000] =	vst v63  }
0x6d: {  	p0 =	sgt.u32 s26, $0x4E;
	s31 =	sor.u32 $0x1780, s29  }
0x6e: {  	[tilespmem:s17], [sflag:$0x3] =	stream.indirect.gather.add.f32 [hbm:s4], $0x80, s31, s15, $0xb8;
	[tilespmem:$0xA000] =	vst v63  }
0x6f: {  	s30 =	ssub.s32 @!p0 $0x800, s29;
	s0 =	simm.s32 @!p0 $0x0;
	s31 =	sadd.s32 @!p0 s28, s9  }
0x70: {  	[tilespmem:s30], [sflag:$0x1] =	stream.linear.gather @!p0 [hbm4b:s31+s0], $0x800, $0x38;
	[tilespmem:$0xA000] =	vst v63  }
0x71: {  	s29 =	ssub.s32 @!p0 $0x1800, s29;
	s30 =	sadd.s32 @!p0 s28, s8  }
0x72: {  	[tilespmem:s29], [sflag:$0x1] =	stream.linear.gather @!p0 [hbm4b:s30+s0], $0x800, $0x38;
	[tilespmem:$0xA000] =	vst v63  }
0x73: {  	_ =	swait.ge [sflag:s18], $0x4000  }
0x74: {  	[sflag:s18] =	ssyncset.done $0x0  }
0x75: {  	[sflag:s18] =	ssyncadd.s32 $0xFFFFC000  }
0x76: {  	_ =	swait.ge [sflag:s19], $0x4000  }
0x77: {  	[sflag:s19] =	ssyncset.done $0x0  }
0x78: {  	[sflag:s19] =	ssyncadd.s32 $0xFFFFC000  }
0x79: {  	_ =	swait.ge [sflag:s18], $0x4000  }
0x7a: {  	[sflag:s18] =	ssyncset.done $0x0  }
0x7b: {  	[sflag:s18] =	ssyncadd.s32 $0xFFFFC000  }
0x7c: {  	_ =	swait.ge [sflag:s19], $0x4000  }
0x7d: {  	[sflag:s19] =	ssyncset.done $0x0  }
0x7e: {  	[sflag:s19] =	ssyncadd.s32 $0xFFFFC000  }
0x7f: {  	_ =	swait.ge [sflag:s18], $0x4000  }
0x80: {  	[sflag:s18] =	ssyncset.done $0x0  }
0x81: {  	[sflag:s18] =	ssyncadd.s32 $0xFFFFC000  }
0x82: {  	_ =	swait.ge [sflag:s19], $0x4000  }
0x83: {  	[sflag:s19] =	ssyncset.done $0x0  }
0x84: {  	[sflag:s19] =	ssyncadd.s32 $0xFFFFC000  }
0x85: {  	_ =	swait.ge [sflag:s18], $0x4000  }
0x86: {  	[sflag:s18] =	ssyncset.done $0x0  }
0x87: {  	[sflag:s18] =	ssyncadd.s32 $0xFFFFC000  }
0x88: {  	_ =	swait.ge [sflag:s19], $0x4000  }
0x89: {  	[sflag:s19] =	ssyncset.done $0x0  }
0x8a: {  	[sflag:s19] =	ssyncadd.s32 $0xFFFFC000  }
0x8b: {  	_ =	swait.ge [sflag:s18], $0x4000  }
0x8c: {  	[sflag:s18] =	ssyncset.done $0x0  }
0x8d: {  	[sflag:s18] =	ssyncadd.s32 $0xFFFFC000  }
0x8e: {  	_ =	swait.ge [sflag:s19], $0x4000  }
0x8f: {  	[sflag:s19] =	ssyncset.done $0x0  }
0x90: {  	[sflag:s19] =	ssyncadd.s32 $0xFFFFC000  }
0x91: {  	_ =	swait.ge [sflag:s18], $0x4000  }
0x92: {  	[sflag:s18] =	ssyncset.done $0x0  }
0x93: {  	[sflag:s18] =	ssyncadd.s32 $0xFFFFC000  }
0x94: {  	_ =	swait.ge [sflag:s19], $0x4000  }
0x95: {  	[sflag:s19] =	ssyncset.done $0x0  }
0x96: {  	[sflag:s19] =	ssyncadd.s32 $0xFFFFC000  }
0x97: {  	_ =	swait.ge [sflag:s18], $0x4000  }
0x98: {  	[sflag:s18] =	ssyncset.done $0x0  }
0x99: {  	[sflag:s18] =	ssyncadd.s32 $0xFFFFC000  }
0x9a: {  	_ =	swait.ge [sflag:s19], $0x4000  }
0x9b: {  	[sflag:s19] =	ssyncset.done $0x0  }
0x9c: {  	[sflag:s19] =	ssyncadd.s32 $0xFFFFC000  }
0x9d: {  	_ =	swait.ge [sflag:s18], $0x4000  }
0x9e: {  	[sflag:s18] =	ssyncset.done $0x0  }
0x9f: {  	[sflag:s18] =	ssyncadd.s32 $0xFFFFC000  }
0xa0: {  	_ =	swait.ge [sflag:s19], $0x4000  }
0xa1: {  	[sflag:s19] =	ssyncset.done $0x0  }
0xa2: {  	[sflag:s19] =	ssyncadd.s32 $0xFFFFC000  }
0xa3: {  	_ =	swait.ge [sflag:s18], $0x4000  }
0xa4: {  	[sflag:s18] =	ssyncset.done $0x0  }
0xa5: {  	[sflag:s18] =	ssyncadd.s32 $0xFFFFC000  }
0xa6: {  	_ =	swait.ge [sflag:s19], $0x4000  }
0xa7: {  	[sflag:s19] =	ssyncset.done $0x0  }
0xa8: {  	[sflag:s19] =	ssyncadd.s32 $0xFFFFC000  }
0xa9: {  	_ =	swait.ge [sflag:s18], $0x4000  }
0xaa: {  	[sflag:s18] =	ssyncset.done $0x0  }
0xab: {  	[sflag:s18] =	ssyncadd.s32 $0xFFFFC000  }
0xac: {  	_ =	swait.ge [sflag:s19], $0x4000  }
0xad: {  	[sflag:s19] =	ssyncset.done $0x0  }
0xae: {  	[sflag:s19] =	ssyncadd.s32 $0xFFFFC000  }
0xaf: {  	_ =	swait.ge [sflag:s18], $0x4000  }
0xb0: {  	[sflag:s18] =	ssyncset.done $0x0  }
0xb1: {  	[sflag:s18] =	ssyncadd.s32 $0xFFFFC000  }
0xb2: {  	_ =	swait.ge [sflag:s19], $0x4000  }
0xb3: {  	[sflag:s19] =	ssyncset.done $0x0  }
0xb4: {  	[sflag:s19] =	ssyncadd.s32 $0xFFFFC000  }
0xb5: {  	_ =	swait.ge [sflag:s18], $0x4000  }
0xb6: {  	[sflag:s18] =	ssyncset.done $0x0  }
0xb7: {  	[sflag:s18] =	ssyncadd.s32 $0xFFFFC000  }
0xb8: {  	_ =	swait.ge [sflag:s19], $0x4000  }
0xb9: {  	[sflag:s19] =	ssyncset.done $0x0  }
0xba: {  	[sflag:s19] =	ssyncadd.s32 $0xFFFFC000  }
0xbb: {  	_ =	swait.ge [sflag:s18], $0x4000  }
0xbc: {  	[sflag:s18] =	ssyncset.done $0x0  }
0xbd: {  	[sflag:s18] =	ssyncadd.s32 $0xFFFFC000  }
0xbe: {  	_ =	swait.ge [sflag:s19], $0x4000  }
0xbf: {  	[sflag:s19] =	ssyncset.done $0x0  }
0xc0: {  	[sflag:s19] =	ssyncadd.s32 $0xFFFFC000  }
0xc1: {  	_ =	swait.ge [sflag:s18], $0x4000  }
0xc2: {  	[sflag:s18] =	ssyncset.done $0x0  }
0xc3: {  	[sflag:s18] =	ssyncadd.s32 $0xFFFFC000  }
0xc4: {  	_ =	swait.ge [sflag:s19], $0x4000  }
0xc5: {  	[sflag:s19] =	ssyncset.done $0x0  }
0xc6: {  	[sflag:s19] =	ssyncadd.s32 $0xFFFFC000  }
0xc7: {  	_ =	swait.ge [sflag:s18], $0x4000  }
0xc8: {  	[sflag:s18] =	ssyncset.done $0x0  }
0xc9: {  	[sflag:s18] =	ssyncadd.s32 $0xFFFFC000  }
0xca: {  	_ =	swait.ge [sflag:s19], $0x4000  }
0xcb: {  	[sflag:s19] =	ssyncset.done $0x0  }
0xcc: {  	[sflag:s19] =	ssyncadd.s32 $0xFFFFC000  }
0xcd: {  	[hbm4b:s24+s2] =	stream.linear.scatter [tilespmem:s16], [sflag:$0x5], $0x4000, $0x38;
	[tilespmem:$0xA000] =	vst v63  }
0xce: {  	_ =	swait.ge [sflag:s20], $0x4000  }
0xcf: {  	[sflag:s20] =	ssyncset.done $0x0  }
.Ltmp5:
0xd0: {  	[sflag:s20] =	ssyncadd.s32 $0xFFFFC000;
	(pc) =	sbr.rel .LBB2_4-.Ltmp5, $4  }
0xd1: {  	[hbm4b:s25+s2] =	stream.linear.scatter [tilespmem:s17], [sflag:$0x4], $0x4000, $0x38;
	[tilespmem:$0xA000] =	vst v63  }
0xd2: {  	_ =	swait.ge [sflag:s21], $0x4000  }
0xd3: {  	[sflag:s21] =	ssyncset.done $0x0  }
0xd4: {  	[sflag:s21] =	ssyncadd.s32 $0xFFFFC000  }
.LBB2_6:
0xd5: {  	_ =	sfence.sel $0x180000  }
0xd6: {  	[bflag:$0x0] =	sbarrier.arrive $0xFFFF  }
0xd7: {  	_ =	strace $0x9000004A  }
0xd8: {  	[bflag:$0x2] =	sbarrier.arrive $0xFFFF  }
0xd9: {  	p0 =	sne.s32 s1, $0x0;
	s0 =	rddreg [dreg:$0x1]  }
0xda: {  	s0 =	sadd.s32 @!p0 $0x100000, s0  }
0xdb: {  	[sflag:s0] =	ssyncadd.tile.s32 @!p0 $0x1;
	_ =	shalt  }
.Lfunc_end2:
_tile_overlayer_lowered:
.L_overlay_start_2:
0xdc: {  	(tag) =	ssettag $0x2  }
0xdd: {  	s0 =	rddreg [dreg:$0x0];
	s2 =	stileid.u32  }
0xde: {  	s1 =	rddreg [dreg:$0x1];
	p0 =	sne.s32 s2, $0x0  }
0xdf: {  	s3 =	rddreg [dreg:$0x2];
	[bflag:$0x3] =	sbarrier.arrive $0xFFFF;
	s2 =	simm.s32 @!p0 $0x1C04  }
0xe0: {  	[timem:s3], [sflag:s2] =	dma.local @!p0 [hbm:s0], s1  }
0xe1: {  	s0 =	simm.s32 @!p0 $0x4  }
0xe2: {  	_ =	swait.ge @!p0 [sflag:s0], s1  }
0xe3: {  	s1 =	ssub.s32 @!p0 $0x0, s1;
	[sflag:s0] =	ssyncset.done @!p0 $0x0  }
0xe4: {  	[sflag:s0] =	ssyncadd.s32 @!p0 s1  }
0xe5: {  	[bflag:$0x3] =	sbarrier.arrive $0xFFFF  }
0xe6: {  	_ =	shalt  }

</sc_bundles>
